<compile_context>
chip_gen: v7x
topology: tpu7x:2x2x1
jax: 0.10.2.dev20260603
libtpu: 0.0.44.dev20260713+nightly
codegen_flags: <defaults>
</compile_context>

<pallas_src>
import functools

import jax
import jax.numpy as jnp
from jax import lax
from jax.experimental import pallas as pl
from jax.experimental.pallas import tpu as pltpu
from jax.experimental.pallas import tpu_sc as plsc

_B, _L = 1024, 200
_N = _B * _L
_D = 50
_DP = 56
_GW = 128
_NC, _NS = 2, 16
_NW = _NC * _NS
_CHUNK = 128
_CPW = _N // (_NW * _CHUNK)
_TBLK = 4096
_NB = _N // _TBLK


def _prep_table(tT, c_blk=16384):
    v = tT.shape[1]
    nb = (v + c_blk - 1) // c_blk

    def body(i_ref, o_ref):
        xt = i_ref[...].T
        o_ref[...] = jnp.concatenate(
            [xt, jnp.zeros((c_blk, _DP - _D), jnp.float32)], axis=1)

    return pl.pallas_call(
        body,
        grid=(nb,),
        in_specs=[pl.BlockSpec((_D, c_blk), lambda i: (0, i))],
        out_specs=pl.BlockSpec((c_blk, _DP), lambda i: (i, 0)),
        out_shape=jax.ShapeDtypeStruct((nb * c_blk, _DP), jnp.float32),
        compiler_params=pltpu.CompilerParams(
            dimension_semantics=("arbitrary",)),
    )(tT)


def _sc_gather1(x, t):
    mesh = plsc.VectorSubcoreMesh(core_axis_name="c", subcore_axis_name="s")

    @functools.partial(
        pl.kernel, mesh=mesh,
        out_type=jax.ShapeDtypeStruct((_N, _GW), jnp.float32),
        compiler_params=pltpu.CompilerParams(use_tc_tiling_on_sc=False),
        scratch_types=[
            pltpu.VMEM((_CPW, _CHUNK), jnp.int32),
            pltpu.VMEM((2, _CHUNK, _DP), jnp.float32),
            pltpu.SemaphoreType.DMA,
        ],
    )
    def k(xh, th, ohbm, iv, bufs, sem):
        wid = lax.axis_index("s") * _NC + lax.axis_index("c")
        row0 = wid * _CPW
        pltpu.sync_copy(xh.at[wid], iv)

        def ga(j, b):
            return pltpu.make_async_copy(th.at[iv.at[j]], bufs.at[b], sem)

        ga(0, 0).start()

        def body(j, carry):
            b = lax.rem(j, 2)
            ga(j, b).wait()
            nxt = lax.min(j + 1, _CPW - 1)
            ga(nxt, 1 - b).start()
            pltpu.sync_copy(
                bufs.at[b],
                ohbm.at[pl.ds((row0 + j) * _CHUNK, _CHUNK), pl.ds(0, _DP)])
            return carry

        lax.fori_loop(0, _CPW, body, 0)
        ga(_CPW - 1, _CPW % 2).wait()

    return k(x, t)


def _mlp(g0, g1, g4, x2r, x3r, a0, a1, a4, p23, b1, w2, b2, s2, bt2):

    def body(x2_ref, x3_ref, g0_ref, g1_ref, g4_ref, a0_ref, a1_ref, a4_ref,
             p23_ref, b1_ref, w2_ref, b2_ref, s2_ref, bt2_ref, o_ref):
        x2 = x2_ref[0, 0, :]
        x3 = x3_ref[0, 0, :]
        it = lax.broadcasted_iota(jnp.int32, (_TBLK, 16), 1)
        oh = jnp.logical_or(x2[:, None] == it,
                            (x3[:, None] + 5) == it).astype(jnp.float32)
        acc = jnp.dot(g0_ref[:, 0:_D], a0_ref[...],
                      preferred_element_type=jnp.float32)
        acc += jnp.dot(g1_ref[:, 0:_D], a1_ref[...],
                       preferred_element_type=jnp.float32)
        acc += jnp.dot(g4_ref[:, 0:_D], a4_ref[...],
                       preferred_element_type=jnp.float32)
        acc += jnp.dot(oh, p23_ref[...], preferred_element_type=jnp.float32)
        acc += b1_ref[...]
        h = jnp.where(acc > 0, acc, jnp.exp(acc) - 1.0)
        acc2 = jnp.dot(h, w2_ref[...], preferred_element_type=jnp.float32)
        acc2 += b2_ref[...]
        h2 = jnp.where(acc2 > 0, acc2, jnp.exp(acc2) - 1.0)
        o_ref[...] = h2 * s2_ref[...] + bt2_ref[...]

    full = lambda shape: pl.BlockSpec(shape, lambda i: tuple(0 for _ in shape))
    return pl.pallas_call(
        body,
        grid=(_NB,),
        in_specs=[
            pl.BlockSpec((1, 1, _TBLK), lambda i: (i, 0, 0)),
            pl.BlockSpec((1, 1, _TBLK), lambda i: (i, 0, 0)),
            pl.BlockSpec((_TBLK, _GW), lambda i: (i, 0)),
            pl.BlockSpec((_TBLK, _GW), lambda i: (i, 0)),
            pl.BlockSpec((_TBLK, _GW), lambda i: (i, 0)),
            full((_D, 150)),
            full((_D, 150)),
            full((_D, 150)),
            full((16, 150)),
            full((1, 150)),
            full((150, 100)),
            full((1, 100)),
            full((1, 100)),
            full((1, 100)),
        ],
        out_specs=pl.BlockSpec((_TBLK, 100), lambda i: (i, 0)),
        out_shape=jax.ShapeDtypeStruct((_N, 100), jnp.float32),
        compiler_params=pltpu.CompilerParams(
            dimension_semantics=("parallel",)),
    )(x2r, x3r, g0, g1, g4, a0, a1, a4, p23, b1, w2, b2, s2, bt2)


def kernel(X, emb0, emb1, emb2, emb3, emb4, gamma0, beta0, W1, bias1,
           gamma1, beta1, W2, bias2, gamma2, beta2):
    inv = jnp.float32(1.0) / jnp.sqrt(jnp.float32(1.0 + 1e-3))
    s0 = gamma0 * inv
    w1e = W1 * s0[:, None]
    b1e = (bias1 + beta0 @ W1).reshape(1, 150)
    a0, a1, a4 = w1e[0:50], w1e[50:100], w1e[107:157]
    p2 = emb2 @ w1e[100:103]
    p3 = emb3 @ w1e[103:107]
    p23 = jnp.concatenate([p2, p3, jnp.zeros((3, 150), jnp.float32)], axis=0)
    w2e = W2 * (gamma1 * inv)[:, None]
    b2e = (bias2 + beta1 @ W2).reshape(1, 100)
    s2 = (gamma2 * inv).reshape(1, 100)
    bt2 = beta2.reshape(1, 100)

    xf = X.reshape(_N, 5)
    x0 = xf[:, 0].reshape(_NW, _CPW, _CHUNK)
    x1 = xf[:, 1].reshape(_NW, _CPW, _CHUNK)
    x4 = xf[:, 4].reshape(_NW, _CPW, _CHUNK)
    g0 = _sc_gather1(x0, _prep_table(emb0.T))
    g1 = _sc_gather1(x1, _prep_table(emb1.T))
    g4 = _sc_gather1(x4, _prep_table(emb4.T))
    x2r = xf[:, 2].reshape(_NB, 1, _TBLK)
    x3r = xf[:, 3].reshape(_NB, 1, _TBLK)
    out = _mlp(g0, g1, g4, x2r, x3r, a0, a1, a4, p23, b1e, w2e, b2e, s2, bt2)
    return out.reshape(_B, _L, 100)

# --- scband reference (transcript-rebuilt; emitter-appended) ---
"""Pipeline reference for scband-cat-embedding-layers-6528350289949 (READ-ONLY COPY).

The authoritative reference and input builder live on the scoring server;
editing this copy changes nothing except your own understanding.
"""

import jax, jax.numpy as jnp
import numpy as np

B, L = 1024, 200
VOCABS = [1000000, 100000, 4, 7, 1000]
NOOV = 1
DIMS = [int(min(np.ceil((v + NOOV) / 2), 50)) for v in VOCABS]  # [50, 50, 3, 4, 50]
CAT_DIM = sum(DIMS)  # 157
EPS = 1e-3  # keras BatchNormalization default epsilon


def _bn(h, gamma, beta):
    # inference-mode batchnorm with moving_mean=0, moving_var=1 (fresh layer state)
    return (h - 0.0) / jnp.sqrt(1.0 + EPS) * gamma + beta


def setup_inputs(seed: int = 0) -> dict:
    key = jax.random.key(seed)
    ks = jax.random.split(key, 16)
    cols = [jax.random.randint(ks[i], (B, L), 0, VOCABS[i]) for i in range(5)]
    X = jnp.stack(cols, axis=-1)
    inp = {"X": X}
    for i in range(5):
        inp[f"emb{i}"] = jax.random.normal(ks[5 + i], (VOCABS[i] + NOOV, DIMS[i]), dtype=jnp.float32) * 0.05
    inp["gamma0"] = jnp.ones((CAT_DIM,), jnp.float32)
    inp["beta0"] = jnp.zeros((CAT_DIM,), jnp.float32)
    inp["W1"] = jax.random.normal(ks[10], (CAT_DIM, 150), dtype=jnp.float32) * (2.0 / CAT_DIM) ** 0.5
    inp["bias1"] = jnp.zeros((150,), jnp.float32)
    inp["gamma1"] = jnp.ones((150,), jnp.float32)
    inp["beta1"] = jnp.zeros((150,), jnp.float32)
    inp["W2"] = jax.random.normal(ks[11], (150, 100), dtype=jnp.float32) * (2.0 / 150.0) ** 0.5
    inp["bias2"] = jnp.zeros((100,), jnp.float32)
    inp["gamma2"] = jnp.ones((100,), jnp.float32)
    inp["beta2"] = jnp.zeros((100,), jnp.float32)
    return inp


def reference(X, emb0, emb1, emb2, emb3, emb4, gamma0, beta0, W1, bias1, gamma1, beta1, W2, bias2, gamma2, beta2):
    tables = [emb0, emb1, emb2, emb3, emb4]
    # per-feature vocab lookup (StaticVocabularyTable with values=arange is identity) + embedding gather
    outs = [jnp.take(tables[i], X[:, :, i], axis=0) for i in range(5)]
    h = jnp.concatenate(outs, axis=-1)
    h = _bn(h, gamma0, beta0)
    h = jax.nn.elu(jnp.dot(h, W1) + bias1)
    h = _bn(h, gamma1, beta1)
    h = jax.nn.elu(jnp.dot(h, W2) + bias2)
    h = _bn(h, gamma2, beta2)
    return h

if __name__ == "__main__":
    import jax
    _d = setup_inputs()
    print(jax.jit(kernel)(*tuple(_d.values())))

</pallas_src>

<mosaic_0001>
#map = affine_map<(d0, d1) -> (0, 0, 0)>
#map1 = affine_map<(d0, d1) -> (0, 0)>
module attributes {stable_mosaic.version = 14 : i64} {
  func.func @k(%arg0: i32, %arg1: i32, %arg2: memref<32x50x128xi32, #tpu.memory_space<hbm>>, %arg3: memref<16384x56xf32, #tpu.memory_space<hbm>>, %arg4: memref<204800x128xf32, #tpu.memory_space<hbm>>, %arg5: memref<50x128xi32, #tpu.memory_space<vmem>>, %arg6: memref<2x128x56xf32, #tpu.memory_space<vmem>>, %arg7: memref<!tpu.dma_semaphore, #tpu.memory_space<semaphore_mem>>) attributes {dimension_semantics = [#tpu.dimension_semantics<core_parallel>, #tpu.dimension_semantics<subcore_parallel>], iteration_bounds = array<i64: 2, 16>, scalar_prefetch = 0 : i64, scratch_operands = 3 : i64, tpu.core_type = #tpu.core_type<sc_vector_subcore>, window_params = [{transform_indices = #map}, {transform_indices = #map1}, {transform_indices = #map1}]} {
    %mul3A = arith.constant 2 : i32
    %mul3A_0 = arith.muli %arg1, %mul3A : i32
    %add3A = arith.addi %mul3A_0, %arg0 : i32
    %mul3A_1 = arith.constant 50 : i32
    %mul3A_2 = arith.muli %add3A, %mul3A_1 : i32
    "tpu.region"() ({
      %run_scoped3A = tpu.sem_alloc : memref<!tpu.dma_semaphore, #tpu.memory_space<semaphore_mem>>
      %dma_start3A_30 = arith.constant 0 : i32
      %dma_start3A_31 = arith.constant 0 : i32
      %dma_start3A_32 = tpu.memref_slice %arg2[%add3A, %dma_start3A_30, %dma_start3A_31] : memref<32x50x128xi32, #tpu.memory_space<hbm>> -> memref<1x50x128xi32, #tpu.memory_space<hbm>>
      %dma_start3A_33 = tpu.memref_squeeze %dma_start3A_32 : memref<1x50x128xi32, #tpu.memory_space<hbm>> -> memref<50x128xi32, #tpu.memory_space<hbm>>
      %dma_start3A_34 = arith.constant 0 : i32
      %dma_start3A_35 = arith.constant 0 : i32
      %dma_start3A_36 = tpu.memref_slice %arg2[%add3A, %dma_start3A_34, %dma_start3A_35] : memref<32x50x128xi32, #tpu.memory_space<hbm>> -> memref<1x50x128xi32, #tpu.memory_space<hbm>>
      %dma_start3A_37 = tpu.memref_squeeze %dma_start3A_36 : memref<1x50x128xi32, #tpu.memory_space<hbm>> -> memref<50x128xi32, #tpu.memory_space<hbm>>
      tpu.enqueue_dma source(%dma_start3A_37 : memref<50x128xi32, #tpu.memory_space<hbm>>) target(%arg5 : memref<50x128xi32, #tpu.memory_space<vmem>>) target_semaphore(%run_scoped3A : memref<!tpu.dma_semaphore, #tpu.memory_space<semaphore_mem>>)
      %dma_wait3A_38 = arith.constant 0 : i32
      %dma_wait3A_39 = arith.constant 0 : i32
      %dma_wait3A_40 = tpu.memref_slice %arg2[%add3A, %dma_wait3A_38, %dma_wait3A_39] : memref<32x50x128xi32, #tpu.memory_space<hbm>> -> memref<1x50x128xi32, #tpu.memory_space<hbm>>
      %dma_wait3A_41 = tpu.memref_squeeze %dma_wait3A_40 : memref<1x50x128xi32, #tpu.memory_space<hbm>> -> memref<50x128xi32, #tpu.memory_space<hbm>>
      %dma_wait3A_42 = arith.constant 0 : i32
      %dma_wait3A_43 = arith.constant 0 : i32
      %dma_wait3A_44 = tpu.memref_slice %arg2[%add3A, %dma_wait3A_42, %dma_wait3A_43] : memref<32x50x128xi32, #tpu.memory_space<hbm>> -> memref<1x50x128xi32, #tpu.memory_space<hbm>>
      %dma_wait3A_45 = tpu.memref_squeeze %dma_wait3A_44 : memref<1x50x128xi32, #tpu.memory_space<hbm>> -> memref<50x128xi32, #tpu.memory_space<hbm>>
      tpu.wait_dma2 semaphore(%run_scoped3A : memref<!tpu.dma_semaphore, #tpu.memory_space<semaphore_mem>>) src(%dma_wait3A_45 : memref<50x128xi32, #tpu.memory_space<hbm>>) dst(%arg5 : memref<50x128xi32, #tpu.memory_space<vmem>>)
      tpu.yield
    }) : () -> ()
    %dma_start3A = arith.constant 0 : i32
    %dma_start3A_3 = arith.constant 0 : i32
    %dma_start3A_4 = arith.constant 0 : i32
    %dma_start3A_5 = arith.constant 0 : i32
    %dma_start3A_6 = tpu.memref_slice %arg6[%dma_start3A_3, %dma_start3A_4, %dma_start3A_5] : memref<2x128x56xf32, #tpu.memory_space<vmem>> -> memref<1x128x56xf32, #tpu.memory_space<vmem>>
    %dma_start3A_7 = tpu.memref_squeeze %dma_start3A_6 : memref<1x128x56xf32, #tpu.memory_space<vmem>> -> memref<128x56xf32, #tpu.memory_space<vmem>>
    %dma_start3A_8 = arith.constant 0 : i32
    %dma_start3A_9 = tpu.memref_slice %arg5[%dma_start3A, %dma_start3A_8] : memref<50x128xi32, #tpu.memory_space<vmem>> -> memref<1x128xi32, #tpu.memory_space<vmem>>
    %dma_start3A_10 = tpu.memref_squeeze %dma_start3A_9 : memref<1x128xi32, #tpu.memory_space<vmem>> -> memref<128xi32, #tpu.memory_space<vmem>>
    %dma_start3A_11 = arith.constant 0 : i32
    %dma_start3A_12 = arith.constant 0 : i32
    %dma_start3A_13 = tpu.memref_slice %arg3[%dma_start3A_11, %dma_start3A_12] : memref<16384x56xf32, #tpu.memory_space<hbm>> -> memref<16384x56xf32, #tpu.memory_space<hbm>>
    tpu.enqueue_indirect_dma source(%dma_start3A_13 : memref<16384x56xf32, #tpu.memory_space<hbm>>) target(%dma_start3A_7 : memref<128x56xf32, #tpu.memory_space<vmem>>) offsets(%dma_start3A_10 : memref<128xi32, #tpu.memory_space<vmem>>) semaphore(%arg7 : memref<!tpu.dma_semaphore, #tpu.memory_space<semaphore_mem>>)
    %scan3A = arith.constant 0 : i32
    %scan3A_14 = arith.constant 0 : i32
    %scan3A_15 = arith.constant 50 : i32
    %scan3A_16 = arith.addi %scan3A_14, %scan3A_15 : i32
    %scan3A_17 = arith.constant 1 : i32
    scf.for %scan3A_30 = %scan3A_14 to %scan3A_16 step %scan3A_17  : i32 {
      %rem3A = arith.constant 2 : i32
      %rem3A_31 = arith.remsi %scan3A_30, %rem3A : i32
      %dma_wait3A_32 = arith.constant 0 : i32
      %dma_wait3A_33 = arith.constant 0 : i32
      %dma_wait3A_34 = tpu.memref_slice %arg6[%rem3A_31, %dma_wait3A_32, %dma_wait3A_33] : memref<2x128x56xf32, #tpu.memory_space<vmem>> -> memref<1x128x56xf32, #tpu.memory_space<vmem>>
      %dma_wait3A_35 = tpu.memref_squeeze %dma_wait3A_34 : memref<1x128x56xf32, #tpu.memory_space<vmem>> -> memref<128x56xf32, #tpu.memory_space<vmem>>
      %dma_wait3A_36 = arith.constant 0 : i32
      %dma_wait3A_37 = tpu.memref_slice %arg5[%scan3A_30, %dma_wait3A_36] : memref<50x128xi32, #tpu.memory_space<vmem>> -> memref<1x128xi32, #tpu.memory_space<vmem>>
      %dma_wait3A_38 = tpu.memref_squeeze %dma_wait3A_37 : memref<1x128xi32, #tpu.memory_space<vmem>> -> memref<128xi32, #tpu.memory_space<vmem>>
      %dma_wait3A_39 = arith.constant 0 : i32
      %dma_wait3A_40 = arith.constant 0 : i32
      %dma_wait3A_41 = tpu.memref_slice %arg3[%dma_wait3A_39, %dma_wait3A_40] : memref<16384x56xf32, #tpu.memory_space<hbm>> -> memref<16384x56xf32, #tpu.memory_space<hbm>>
      tpu.wait_indirect_dma semaphore(%arg7 : memref<!tpu.dma_semaphore, #tpu.memory_space<semaphore_mem>>) src(%dma_wait3A_41 : memref<16384x56xf32, #tpu.memory_space<hbm>>) dst(%dma_wait3A_35 : memref<128x56xf32, #tpu.memory_space<vmem>>)
      %add3A_42 = arith.constant 1 : i32
      %add3A_43 = arith.addi %scan3A_30, %add3A_42 : i32
      %min3A = arith.constant 49 : i32
      %min3A_44 = arith.minsi %add3A_43, %min3A : i32
      %sub3A = arith.constant 1 : i32
      %sub3A_45 = arith.subi %sub3A, %rem3A_31 : i32
      %dma_start3A_46 = arith.constant 0 : i32
      %dma_start3A_47 = arith.constant 0 : i32
      %dma_start3A_48 = tpu.memref_slice %arg6[%sub3A_45, %dma_start3A_46, %dma_start3A_47] : memref<2x128x56xf32, #tpu.memory_space<vmem>> -> memref<1x128x56xf32, #tpu.memory_space<vmem>>
      %dma_start3A_49 = tpu.memref_squeeze %dma_start3A_48 : memref<1x128x56xf32, #tpu.memory_space<vmem>> -> memref<128x56xf32, #tpu.memory_space<vmem>>
      %dma_start3A_50 = arith.constant 0 : i32
      %dma_start3A_51 = tpu.memref_slice %arg5[%min3A_44, %dma_start3A_50] : memref<50x128xi32, #tpu.memory_space<vmem>> -> memref<1x128xi32, #tpu.memory_space<vmem>>
      %dma_start3A_52 = tpu.memref_squeeze %dma_start3A_51 : memref<1x128xi32, #tpu.memory_space<vmem>> -> memref<128xi32, #tpu.memory_space<vmem>>
      %dma_start3A_53 = arith.constant 0 : i32
      %dma_start3A_54 = arith.constant 0 : i32
      %dma_start3A_55 = tpu.memref_slice %arg3[%dma_start3A_53, %dma_start3A_54] : memref<16384x56xf32, #tpu.memory_space<hbm>> -> memref<16384x56xf32, #tpu.memory_space<hbm>>
      tpu.enqueue_indirect_dma source(%dma_start3A_55 : memref<16384x56xf32, #tpu.memory_space<hbm>>) target(%dma_start3A_49 : memref<128x56xf32, #tpu.memory_space<vmem>>) offsets(%dma_start3A_52 : memref<128xi32, #tpu.memory_space<vmem>>) semaphore(%arg7 : memref<!tpu.dma_semaphore, #tpu.memory_space<semaphore_mem>>)
      %add3A_56 = arith.addi %mul3A_2, %scan3A_30 : i32
      %mul3A_57 = arith.constant 128 : i32
      %mul3A_58 = arith.muli %add3A_56, %mul3A_57 : i32
      "tpu.region"() ({
        %run_scoped3A = tpu.sem_alloc : memref<!tpu.dma_semaphore, #tpu.memory_space<semaphore_mem>>
        %dma_start3A_59 = arith.constant 0 : i32
        %dma_start3A_60 = arith.constant 0 : i32
        %dma_start3A_61 = tpu.memref_slice %arg6[%rem3A_31, %dma_start3A_59, %dma_start3A_60] : memref<2x128x56xf32, #tpu.memory_space<vmem>> -> memref<1x128x56xf32, #tpu.memory_space<vmem>>
        %dma_start3A_62 = tpu.memref_squeeze %dma_start3A_61 : memref<1x128x56xf32, #tpu.memory_space<vmem>> -> memref<128x56xf32, #tpu.memory_space<vmem>>
        %dma_start3A_63 = arith.constant 0 : i32
        %dma_start3A_64 = tpu.memref_slice %arg4[%mul3A_58, %dma_start3A_63] : memref<204800x128xf32, #tpu.memory_space<hbm>> -> memref<128x56xf32, #tpu.memory_space<hbm>>
        %dma_start3A_65 = arith.constant 0 : i32
        %dma_start3A_66 = tpu.memref_slice %arg4[%mul3A_58, %dma_start3A_65] : memref<204800x128xf32, #tpu.memory_space<hbm>> -> memref<128x56xf32, #tpu.memory_space<hbm>>
        %dma_start3A_67 = arith.constant 0 : i32
        %dma_start3A_68 = arith.constant 0 : i32
        %dma_start3A_69 = tpu.memref_slice %arg6[%rem3A_31, %dma_start3A_67, %dma_start3A_68] : memref<2x128x56xf32, #tpu.memory_space<vmem>> -> memref<1x128x56xf32, #tpu.memory_space<vmem>>
        %dma_start3A_70 = tpu.memref_squeeze %dma_start3A_69 : memref<1x128x56xf32, #tpu.memory_space<vmem>> -> memref<128x56xf32, #tpu.memory_space<vmem>>
        tpu.enqueue_dma source(%dma_start3A_70 : memref<128x56xf32, #tpu.memory_space<vmem>>) target(%dma_start3A_66 : memref<128x56xf32, #tpu.memory_space<hbm>>) target_semaphore(%run_scoped3A : memref<!tpu.dma_semaphore, #tpu.memory_space<semaphore_mem>>)
        %dma_wait3A_71 = arith.constant 0 : i32
        %dma_wait3A_72 = arith.constant 0 : i32
        %dma_wait3A_73 = tpu.memref_slice %arg6[%rem3A_31, %dma_wait3A_71, %dma_wait3A_72] : memref<2x128x56xf32, #tpu.memory_space<vmem>> -> memref<1x128x56xf32, #tpu.memory_space<vmem>>
        %dma_wait3A_74 = tpu.memref_squeeze %dma_wait3A_73 : memref<1x128x56xf32, #tpu.memory_space<vmem>> -> memref<128x56xf32, #tpu.memory_space<vmem>>
        %dma_wait3A_75 = arith.constant 0 : i32
        %dma_wait3A_76 = tpu.memref_slice %arg4[%mul3A_58, %dma_wait3A_75] : memref<204800x128xf32, #tpu.memory_space<hbm>> -> memref<128x56xf32, #tpu.memory_space<hbm>>
        %dma_wait3A_77 = arith.constant 0 : i32
        %dma_wait3A_78 = tpu.memref_slice %arg4[%mul3A_58, %dma_wait3A_77] : memref<204800x128xf32, #tpu.memory_space<hbm>> -> memref<128x56xf32, #tpu.memory_space<hbm>>
        %dma_wait3A_79 = arith.constant 0 : i32
        %dma_wait3A_80 = arith.constant 0 : i32
        %dma_wait3A_81 = tpu.memref_slice %arg6[%rem3A_31, %dma_wait3A_79, %dma_wait3A_80] : memref<2x128x56xf32, #tpu.memory_space<vmem>> -> memref<1x128x56xf32, #tpu.memory_space<vmem>>
        %dma_wait3A_82 = tpu.memref_squeeze %dma_wait3A_81 : memref<1x128x56xf32, #tpu.memory_space<vmem>> -> memref<128x56xf32, #tpu.memory_space<vmem>>
        tpu.wait_dma2 semaphore(%run_scoped3A : memref<!tpu.dma_semaphore, #tpu.memory_space<semaphore_mem>>) src(%dma_wait3A_82 : memref<128x56xf32, #tpu.memory_space<vmem>>) dst(%dma_wait3A_78 : memref<128x56xf32, #tpu.memory_space<hbm>>)
        tpu.yield
      }) : () -> ()
    }
    %scan3A_18 = arith.constant 50 : i32
    %dma_wait3A = arith.constant 49 : i32
    %dma_wait3A_19 = arith.constant 0 : i32
    %dma_wait3A_20 = arith.constant 0 : i32
    %dma_wait3A_21 = arith.constant 0 : i32
    %dma_wait3A_22 = tpu.memref_slice %arg6[%dma_wait3A_19, %dma_wait3A_20, %dma_wait3A_21] : memref<2x128x56xf32, #tpu.memory_space<vmem>> -> memref<1x128x56xf32, #tpu.memory_space<vmem>>
    %dma_wait3A_23 = tpu.memref_squeeze %dma_wait3A_22 : memref<1x128x56xf32, #tpu.memory_space<vmem>> -> memref<128x56xf32, #tpu.memory_space<vmem>>
    %dma_wait3A_24 = arith.constant 0 : i32
    %dma_wait3A_25 = tpu.memref_slice %arg5[%dma_wait3A, %dma_wait3A_24] : memref<50x128xi32, #tpu.memory_space<vmem>> -> memref<1x128xi32, #tpu.memory_space<vmem>>
    %dma_wait3A_26 = tpu.memref_squeeze %dma_wait3A_25 : memref<1x128xi32, #tpu.memory_space<vmem>> -> memref<128xi32, #tpu.memory_space<vmem>>
    %dma_wait3A_27 = arith.constant 0 : i32
    %dma_wait3A_28 = arith.constant 0 : i32
    %dma_wait3A_29 = tpu.memref_slice %arg3[%dma_wait3A_27, %dma_wait3A_28] : memref<16384x56xf32, #tpu.memory_space<hbm>> -> memref<16384x56xf32, #tpu.memory_space<hbm>>
    tpu.wait_indirect_dma semaphore(%arg7 : memref<!tpu.dma_semaphore, #tpu.memory_space<semaphore_mem>>) src(%dma_wait3A_29 : memref<16384x56xf32, #tpu.memory_space<hbm>>) dst(%dma_wait3A_23 : memref<128x56xf32, #tpu.memory_space<vmem>>)
    return
  }
}

#map = affine_map<(d0, d1) -> (0, 0, 0)>
#map1 = affine_map<(d0, d1) -> (0, 0)>
module attributes {stable_mosaic.version = 14 : i64} {
  func.func @k(%arg0: i32, %arg1: i32, %arg2: memref<32x50x128xi32, #tpu.memory_space<hbm>>, %arg3: memref<1015808x56xf32, #tpu.memory_space<hbm>>, %arg4: memref<204800x128xf32, #tpu.memory_space<hbm>>, %arg5: memref<50x128xi32, #tpu.memory_space<vmem>>, %arg6: memref<2x128x56xf32, #tpu.memory_space<vmem>>, %arg7: memref<!tpu.dma_semaphore, #tpu.memory_space<semaphore_mem>>) attributes {dimension_semantics = [#tpu.dimension_semantics<core_parallel>, #tpu.dimension_semantics<subcore_parallel>], iteration_bounds = array<i64: 2, 16>, scalar_prefetch = 0 : i64, scratch_operands = 3 : i64, tpu.core_type = #tpu.core_type<sc_vector_subcore>, window_params = [{transform_indices = #map}, {transform_indices = #map1}, {transform_indices = #map1}]} {
    %mul3A = arith.constant 2 : i32
    %mul3A_0 = arith.muli %arg1, %mul3A : i32
    %add3A = arith.addi %mul3A_0, %arg0 : i32
    %mul3A_1 = arith.constant 50 : i32
    %mul3A_2 = arith.muli %add3A, %mul3A_1 : i32
    "tpu.region"() ({
      %run_scoped3A = tpu.sem_alloc : memref<!tpu.dma_semaphore, #tpu.memory_space<semaphore_mem>>
      %dma_start3A_30 = arith.constant 0 : i32
      %dma_start3A_31 = arith.constant 0 : i32
      %dma_start3A_32 = tpu.memref_slice %arg2[%add3A, %dma_start3A_30, %dma_start3A_31] : memref<32x50x128xi32, #tpu.memory_space<hbm>> -> memref<1x50x128xi32, #tpu.memory_space<hbm>>
      %dma_start3A_33 = tpu.memref_squeeze %dma_start3A_32 : memref<1x50x128xi32, #tpu.memory_space<hbm>> -> memref<50x128xi32, #tpu.memory_space<hbm>>
      %dma_start3A_34 = arith.constant 0 : i32
      %dma_start3A_35 = arith.constant 0 : i32
      %dma_start3A_36 = tpu.memref_slice %arg2[%add3A, %dma_start3A_34, %dma_start3A_35] : memref<32x50x128xi32, #tpu.memory_space<hbm>> -> memref<1x50x128xi32, #tpu.memory_space<hbm>>
      %dma_start3A_37 = tpu.memref_squeeze %dma_start3A_36 : memref<1x50x128xi32, #tpu.memory_space<hbm>> -> memref<50x128xi32, #tpu.memory_space<hbm>>
      tpu.enqueue_dma source(%dma_start3A_37 : memref<50x128xi32, #tpu.memory_space<hbm>>) target(%arg5 : memref<50x128xi32, #tpu.memory_space<vmem>>) target_semaphore(%run_scoped3A : memref<!tpu.dma_semaphore, #tpu.memory_space<semaphore_mem>>)
      %dma_wait3A_38 = arith.constant 0 : i32
      %dma_wait3A_39 = arith.constant 0 : i32
      %dma_wait3A_40 = tpu.memref_slice %arg2[%add3A, %dma_wait3A_38, %dma_wait3A_39] : memref<32x50x128xi32, #tpu.memory_space<hbm>> -> memref<1x50x128xi32, #tpu.memory_space<hbm>>
      %dma_wait3A_41 = tpu.memref_squeeze %dma_wait3A_40 : memref<1x50x128xi32, #tpu.memory_space<hbm>> -> memref<50x128xi32, #tpu.memory_space<hbm>>
      %dma_wait3A_42 = arith.constant 0 : i32
      %dma_wait3A_43 = arith.constant 0 : i32
      %dma_wait3A_44 = tpu.memref_slice %arg2[%add3A, %dma_wait3A_42, %dma_wait3A_43] : memref<32x50x128xi32, #tpu.memory_space<hbm>> -> memref<1x50x128xi32, #tpu.memory_space<hbm>>
      %dma_wait3A_45 = tpu.memref_squeeze %dma_wait3A_44 : memref<1x50x128xi32, #tpu.memory_space<hbm>> -> memref<50x128xi32, #tpu.memory_space<hbm>>
      tpu.wait_dma2 semaphore(%run_scoped3A : memref<!tpu.dma_semaphore, #tpu.memory_space<semaphore_mem>>) src(%dma_wait3A_45 : memref<50x128xi32, #tpu.memory_space<hbm>>) dst(%arg5 : memref<50x128xi32, #tpu.memory_space<vmem>>)
      tpu.yield
    }) : () -> ()
    %dma_start3A = arith.constant 0 : i32
    %dma_start3A_3 = arith.constant 0 : i32
    %dma_start3A_4 = arith.constant 0 : i32
    %dma_start3A_5 = arith.constant 0 : i32
    %dma_start3A_6 = tpu.memref_slice %arg6[%dma_start3A_3, %dma_start3A_4, %dma_start3A_5] : memref<2x128x56xf32, #tpu.memory_space<vmem>> -> memref<1x128x56xf32, #tpu.memory_space<vmem>>
    %dma_start3A_7 = tpu.memref_squeeze %dma_start3A_6 : memref<1x128x56xf32, #tpu.memory_space<vmem>> -> memref<128x56xf32, #tpu.memory_space<vmem>>
    %dma_start3A_8 = arith.constant 0 : i32
    %dma_start3A_9 = tpu.memref_slice %arg5[%dma_start3A, %dma_start3A_8] : memref<50x128xi32, #tpu.memory_space<vmem>> -> memref<1x128xi32, #tpu.memory_space<vmem>>
    %dma_start3A_10 = tpu.memref_squeeze %dma_start3A_9 : memref<1x128xi32, #tpu.memory_space<vmem>> -> memref<128xi32, #tpu.memory_space<vmem>>
    %dma_start3A_11 = arith.constant 0 : i32
    %dma_start3A_12 = arith.constant 0 : i32
    %dma_start3A_13 = tpu.memref_slice %arg3[%dma_start3A_11, %dma_start3A_12] : memref<1015808x56xf32, #tpu.memory_space<hbm>> -> memref<1015808x56xf32, #tpu.memory_space<hbm>>
    tpu.enqueue_indirect_dma source(%dma_start3A_13 : memref<1015808x56xf32, #tpu.memory_space<hbm>>) target(%dma_start3A_7 : memref<128x56xf32, #tpu.memory_space<vmem>>) offsets(%dma_start3A_10 : memref<128xi32, #tpu.memory_space<vmem>>) semaphore(%arg7 : memref<!tpu.dma_semaphore, #tpu.memory_space<semaphore_mem>>)
    %scan3A = arith.constant 0 : i32
    %scan3A_14 = arith.constant 0 : i32
    %scan3A_15 = arith.constant 50 : i32
    %scan3A_16 = arith.addi %scan3A_14, %scan3A_15 : i32
    %scan3A_17 = arith.constant 1 : i32
    scf.for %scan3A_30 = %scan3A_14 to %scan3A_16 step %scan3A_17  : i32 {
      %rem3A = arith.constant 2 : i32
      %rem3A_31 = arith.remsi %scan3A_30, %rem3A : i32
      %dma_wait3A_32 = arith.constant 0 : i32
      %dma_wait3A_33 = arith.constant 0 : i32
      %dma_wait3A_34 = tpu.memref_slice %arg6[%rem3A_31, %dma_wait3A_32, %dma_wait3A_33] : memref<2x128x56xf32, #tpu.memory_space<vmem>> -> memref<1x128x56xf32, #tpu.memory_space<vmem>>
      %dma_wait3A_35 = tpu.memref_squeeze %dma_wait3A_34 : memref<1x128x56xf32, #tpu.memory_space<vmem>> -> memref<128x56xf32, #tpu.memory_space<vmem>>
      %dma_wait3A_36 = arith.constant 0 : i32
      %dma_wait3A_37 = tpu.memref_slice %arg5[%scan3A_30, %dma_wait3A_36] : memref<50x128xi32, #tpu.memory_space<vmem>> -> memref<1x128xi32, #tpu.memory_space<vmem>>
      %dma_wait3A_38 = tpu.memref_squeeze %dma_wait3A_37 : memref<1x128xi32, #tpu.memory_space<vmem>> -> memref<128xi32, #tpu.memory_space<vmem>>
      %dma_wait3A_39 = arith.constant 0 : i32
      %dma_wait3A_40 = arith.constant 0 : i32
      %dma_wait3A_41 = tpu.memref_slice %arg3[%dma_wait3A_39, %dma_wait3A_40] : memref<1015808x56xf32, #tpu.memory_space<hbm>> -> memref<1015808x56xf32, #tpu.memory_space<hbm>>
      tpu.wait_indirect_dma semaphore(%arg7 : memref<!tpu.dma_semaphore, #tpu.memory_space<semaphore_mem>>) src(%dma_wait3A_41 : memref<1015808x56xf32, #tpu.memory_space<hbm>>) dst(%dma_wait3A_35 : memref<128x56xf32, #tpu.memory_space<vmem>>)
      %add3A_42 = arith.constant 1 : i32
      %add3A_43 = arith.addi %scan3A_30, %add3A_42 : i32
      %min3A = arith.constant 49 : i32
      %min3A_44 = arith.minsi %add3A_43, %min3A : i32
      %sub3A = arith.constant 1 : i32
      %sub3A_45 = arith.subi %sub3A, %rem3A_31 : i32
      %dma_start3A_46 = arith.constant 0 : i32
      %dma_start3A_47 = arith.constant 0 : i32
      %dma_start3A_48 = tpu.memref_slice %arg6[%sub3A_45, %dma_start3A_46, %dma_start3A_47] : memref<2x128x56xf32, #tpu.memory_space<vmem>> -> memref<1x128x56xf32, #tpu.memory_space<vmem>>
      %dma_start3A_49 = tpu.memref_squeeze %dma_start3A_48 : memref<1x128x56xf32, #tpu.memory_space<vmem>> -> memref<128x56xf32, #tpu.memory_space<vmem>>
      %dma_start3A_50 = arith.constant 0 : i32
      %dma_start3A_51 = tpu.memref_slice %arg5[%min3A_44, %dma_start3A_50] : memref<50x128xi32, #tpu.memory_space<vmem>> -> memref<1x128xi32, #tpu.memory_space<vmem>>
      %dma_start3A_52 = tpu.memref_squeeze %dma_start3A_51 : memref<1x128xi32, #tpu.memory_space<vmem>> -> memref<128xi32, #tpu.memory_space<vmem>>
      %dma_start3A_53 = arith.constant 0 : i32
      %dma_start3A_54 = arith.constant 0 : i32
      %dma_start3A_55 = tpu.memref_slice %arg3[%dma_start3A_53, %dma_start3A_54] : memref<1015808x56xf32, #tpu.memory_space<hbm>> -> memref<1015808x56xf32, #tpu.memory_space<hbm>>
      tpu.enqueue_indirect_dma source(%dma_start3A_55 : memref<1015808x56xf32, #tpu.memory_space<hbm>>) target(%dma_start3A_49 : memref<128x56xf32, #tpu.memory_space<vmem>>) offsets(%dma_start3A_52 : memref<128xi32, #tpu.memory_space<vmem>>) semaphore(%arg7 : memref<!tpu.dma_semaphore, #tpu.memory_space<semaphore_mem>>)
      %add3A_56 = arith.addi %mul3A_2, %scan3A_30 : i32
      %mul3A_57 = arith.constant 128 : i32
      %mul3A_58 = arith.muli %add3A_56, %mul3A_57 : i32
      "tpu.region"() ({
        %run_scoped3A = tpu.sem_alloc : memref<!tpu.dma_semaphore, #tpu.memory_space<semaphore_mem>>
        %dma_start3A_59 = arith.constant 0 : i32
        %dma_start3A_60 = arith.constant 0 : i32
        %dma_start3A_61 = tpu.memref_slice %arg6[%rem3A_31, %dma_start3A_59, %dma_start3A_60] : memref<2x128x56xf32, #tpu.memory_space<vmem>> -> memref<1x128x56xf32, #tpu.memory_space<vmem>>
        %dma_start3A_62 = tpu.memref_squeeze %dma_start3A_61 : memref<1x128x56xf32, #tpu.memory_space<vmem>> -> memref<128x56xf32, #tpu.memory_space<vmem>>
        %dma_start3A_63 = arith.constant 0 : i32
        %dma_start3A_64 = tpu.memref_slice %arg4[%mul3A_58, %dma_start3A_63] : memref<204800x128xf32, #tpu.memory_space<hbm>> -> memref<128x56xf32, #tpu.memory_space<hbm>>
        %dma_start3A_65 = arith.constant 0 : i32
        %dma_start3A_66 = tpu.memref_slice %arg4[%mul3A_58, %dma_start3A_65] : memref<204800x128xf32, #tpu.memory_space<hbm>> -> memref<128x56xf32, #tpu.memory_space<hbm>>
        %dma_start3A_67 = arith.constant 0 : i32
        %dma_start3A_68 = arith.constant 0 : i32
        %dma_start3A_69 = tpu.memref_slice %arg6[%rem3A_31, %dma_start3A_67, %dma_start3A_68] : memref<2x128x56xf32, #tpu.memory_space<vmem>> -> memref<1x128x56xf32, #tpu.memory_space<vmem>>
        %dma_start3A_70 = tpu.memref_squeeze %dma_start3A_69 : memref<1x128x56xf32, #tpu.memory_space<vmem>> -> memref<128x56xf32, #tpu.memory_space<vmem>>
        tpu.enqueue_dma source(%dma_start3A_70 : memref<128x56xf32, #tpu.memory_space<vmem>>) target(%dma_start3A_66 : memref<128x56xf32, #tpu.memory_space<hbm>>) target_semaphore(%run_scoped3A : memref<!tpu.dma_semaphore, #tpu.memory_space<semaphore_mem>>)
        %dma_wait3A_71 = arith.constant 0 : i32
        %dma_wait3A_72 = arith.constant 0 : i32
        %dma_wait3A_73 = tpu.memref_slice %arg6[%rem3A_31, %dma_wait3A_71, %dma_wait3A_72] : memref<2x128x56xf32, #tpu.memory_space<vmem>> -> memref<1x128x56xf32, #tpu.memory_space<vmem>>
        %dma_wait3A_74 = tpu.memref_squeeze %dma_wait3A_73 : memref<1x128x56xf32, #tpu.memory_space<vmem>> -> memref<128x56xf32, #tpu.memory_space<vmem>>
        %dma_wait3A_75 = arith.constant 0 : i32
        %dma_wait3A_76 = tpu.memref_slice %arg4[%mul3A_58, %dma_wait3A_75] : memref<204800x128xf32, #tpu.memory_space<hbm>> -> memref<128x56xf32, #tpu.memory_space<hbm>>
        %dma_wait3A_77 = arith.constant 0 : i32
        %dma_wait3A_78 = tpu.memref_slice %arg4[%mul3A_58, %dma_wait3A_77] : memref<204800x128xf32, #tpu.memory_space<hbm>> -> memref<128x56xf32, #tpu.memory_space<hbm>>
        %dma_wait3A_79 = arith.constant 0 : i32
        %dma_wait3A_80 = arith.constant 0 : i32
        %dma_wait3A_81 = tpu.memref_slice %arg6[%rem3A_31, %dma_wait3A_79, %dma_wait3A_80] : memref<2x128x56xf32, #tpu.memory_space<vmem>> -> memref<1x128x56xf32, #tpu.memory_space<vmem>>
        %dma_wait3A_82 = tpu.memref_squeeze %dma_wait3A_81 : memref<1x128x56xf32, #tpu.memory_space<vmem>> -> memref<128x56xf32, #tpu.memory_space<vmem>>
        tpu.wait_dma2 semaphore(%run_scoped3A : memref<!tpu.dma_semaphore, #tpu.memory_space<semaphore_mem>>) src(%dma_wait3A_82 : memref<128x56xf32, #tpu.memory_space<vmem>>) dst(%dma_wait3A_78 : memref<128x56xf32, #tpu.memory_space<hbm>>)
        tpu.yield
      }) : () -> ()
    }
    %scan3A_18 = arith.constant 50 : i32
    %dma_wait3A = arith.constant 49 : i32
    %dma_wait3A_19 = arith.constant 0 : i32
    %dma_wait3A_20 = arith.constant 0 : i32
    %dma_wait3A_21 = arith.constant 0 : i32
    %dma_wait3A_22 = tpu.memref_slice %arg6[%dma_wait3A_19, %dma_wait3A_20, %dma_wait3A_21] : memref<2x128x56xf32, #tpu.memory_space<vmem>> -> memref<1x128x56xf32, #tpu.memory_space<vmem>>
    %dma_wait3A_23 = tpu.memref_squeeze %dma_wait3A_22 : memref<1x128x56xf32, #tpu.memory_space<vmem>> -> memref<128x56xf32, #tpu.memory_space<vmem>>
    %dma_wait3A_24 = arith.constant 0 : i32
    %dma_wait3A_25 = tpu.memref_slice %arg5[%dma_wait3A, %dma_wait3A_24] : memref<50x128xi32, #tpu.memory_space<vmem>> -> memref<1x128xi32, #tpu.memory_space<vmem>>
    %dma_wait3A_26 = tpu.memref_squeeze %dma_wait3A_25 : memref<1x128xi32, #tpu.memory_space<vmem>> -> memref<128xi32, #tpu.memory_space<vmem>>
    %dma_wait3A_27 = arith.constant 0 : i32
    %dma_wait3A_28 = arith.constant 0 : i32
    %dma_wait3A_29 = tpu.memref_slice %arg3[%dma_wait3A_27, %dma_wait3A_28] : memref<1015808x56xf32, #tpu.memory_space<hbm>> -> memref<1015808x56xf32, #tpu.memory_space<hbm>>
    tpu.wait_indirect_dma semaphore(%arg7 : memref<!tpu.dma_semaphore, #tpu.memory_space<semaphore_mem>>) src(%dma_wait3A_29 : memref<1015808x56xf32, #tpu.memory_space<hbm>>) dst(%dma_wait3A_23 : memref<128x56xf32, #tpu.memory_space<vmem>>)
    return
  }
}

#map = affine_map<(d0, d1) -> (0, 0, 0)>
#map1 = affine_map<(d0, d1) -> (0, 0)>
module attributes {stable_mosaic.version = 14 : i64} {
  func.func @k(%arg0: i32, %arg1: i32, %arg2: memref<32x50x128xi32, #tpu.memory_space<hbm>>, %arg3: memref<114688x56xf32, #tpu.memory_space<hbm>>, %arg4: memref<204800x128xf32, #tpu.memory_space<hbm>>, %arg5: memref<50x128xi32, #tpu.memory_space<vmem>>, %arg6: memref<2x128x56xf32, #tpu.memory_space<vmem>>, %arg7: memref<!tpu.dma_semaphore, #tpu.memory_space<semaphore_mem>>) attributes {dimension_semantics = [#tpu.dimension_semantics<core_parallel>, #tpu.dimension_semantics<subcore_parallel>], iteration_bounds = array<i64: 2, 16>, scalar_prefetch = 0 : i64, scratch_operands = 3 : i64, tpu.core_type = #tpu.core_type<sc_vector_subcore>, window_params = [{transform_indices = #map}, {transform_indices = #map1}, {transform_indices = #map1}]} {
    %mul3A = arith.constant 2 : i32
    %mul3A_0 = arith.muli %arg1, %mul3A : i32
    %add3A = arith.addi %mul3A_0, %arg0 : i32
    %mul3A_1 = arith.constant 50 : i32
    %mul3A_2 = arith.muli %add3A, %mul3A_1 : i32
    "tpu.region"() ({
      %run_scoped3A = tpu.sem_alloc : memref<!tpu.dma_semaphore, #tpu.memory_space<semaphore_mem>>
      %dma_start3A_30 = arith.constant 0 : i32
      %dma_start3A_31 = arith.constant 0 : i32
      %dma_start3A_32 = tpu.memref_slice %arg2[%add3A, %dma_start3A_30, %dma_start3A_31] : memref<32x50x128xi32, #tpu.memory_space<hbm>> -> memref<1x50x128xi32, #tpu.memory_space<hbm>>
      %dma_start3A_33 = tpu.memref_squeeze %dma_start3A_32 : memref<1x50x128xi32, #tpu.memory_space<hbm>> -> memref<50x128xi32, #tpu.memory_space<hbm>>
      %dma_start3A_34 = arith.constant 0 : i32
      %dma_start3A_35 = arith.constant 0 : i32
      %dma_start3A_36 = tpu.memref_slice %arg2[%add3A, %dma_start3A_34, %dma_start3A_35] : memref<32x50x128xi32, #tpu.memory_space<hbm>> -> memref<1x50x128xi32, #tpu.memory_space<hbm>>
      %dma_start3A_37 = tpu.memref_squeeze %dma_start3A_36 : memref<1x50x128xi32, #tpu.memory_space<hbm>> -> memref<50x128xi32, #tpu.memory_space<hbm>>
      tpu.enqueue_dma source(%dma_start3A_37 : memref<50x128xi32, #tpu.memory_space<hbm>>) target(%arg5 : memref<50x128xi32, #tpu.memory_space<vmem>>) target_semaphore(%run_scoped3A : memref<!tpu.dma_semaphore, #tpu.memory_space<semaphore_mem>>)
      %dma_wait3A_38 = arith.constant 0 : i32
      %dma_wait3A_39 = arith.constant 0 : i32
      %dma_wait3A_40 = tpu.memref_slice %arg2[%add3A, %dma_wait3A_38, %dma_wait3A_39] : memref<32x50x128xi32, #tpu.memory_space<hbm>> -> memref<1x50x128xi32, #tpu.memory_space<hbm>>
      %dma_wait3A_41 = tpu.memref_squeeze %dma_wait3A_40 : memref<1x50x128xi32, #tpu.memory_space<hbm>> -> memref<50x128xi32, #tpu.memory_space<hbm>>
      %dma_wait3A_42 = arith.constant 0 : i32
      %dma_wait3A_43 = arith.constant 0 : i32
      %dma_wait3A_44 = tpu.memref_slice %arg2[%add3A, %dma_wait3A_42, %dma_wait3A_43] : memref<32x50x128xi32, #tpu.memory_space<hbm>> -> memref<1x50x128xi32, #tpu.memory_space<hbm>>
      %dma_wait3A_45 = tpu.memref_squeeze %dma_wait3A_44 : memref<1x50x128xi32, #tpu.memory_space<hbm>> -> memref<50x128xi32, #tpu.memory_space<hbm>>
      tpu.wait_dma2 semaphore(%run_scoped3A : memref<!tpu.dma_semaphore, #tpu.memory_space<semaphore_mem>>) src(%dma_wait3A_45 : memref<50x128xi32, #tpu.memory_space<hbm>>) dst(%arg5 : memref<50x128xi32, #tpu.memory_space<vmem>>)
      tpu.yield
    }) : () -> ()
    %dma_start3A = arith.constant 0 : i32
    %dma_start3A_3 = arith.constant 0 : i32
    %dma_start3A_4 = arith.constant 0 : i32
    %dma_start3A_5 = arith.constant 0 : i32
    %dma_start3A_6 = tpu.memref_slice %arg6[%dma_start3A_3, %dma_start3A_4, %dma_start3A_5] : memref<2x128x56xf32, #tpu.memory_space<vmem>> -> memref<1x128x56xf32, #tpu.memory_space<vmem>>
    %dma_start3A_7 = tpu.memref_squeeze %dma_start3A_6 : memref<1x128x56xf32, #tpu.memory_space<vmem>> -> memref<128x56xf32, #tpu.memory_space<vmem>>
    %dma_start3A_8 = arith.constant 0 : i32
    %dma_start3A_9 = tpu.memref_slice %arg5[%dma_start3A, %dma_start3A_8] : memref<50x128xi32, #tpu.memory_space<vmem>> -> memref<1x128xi32, #tpu.memory_space<vmem>>
    %dma_start3A_10 = tpu.memref_squeeze %dma_start3A_9 : memref<1x128xi32, #tpu.memory_space<vmem>> -> memref<128xi32, #tpu.memory_space<vmem>>
    %dma_start3A_11 = arith.constant 0 : i32
    %dma_start3A_12 = arith.constant 0 : i32
    %dma_start3A_13 = tpu.memref_slice %arg3[%dma_start3A_11, %dma_start3A_12] : memref<114688x56xf32, #tpu.memory_space<hbm>> -> memref<114688x56xf32, #tpu.memory_space<hbm>>
    tpu.enqueue_indirect_dma source(%dma_start3A_13 : memref<114688x56xf32, #tpu.memory_space<hbm>>) target(%dma_start3A_7 : memref<128x56xf32, #tpu.memory_space<vmem>>) offsets(%dma_start3A_10 : memref<128xi32, #tpu.memory_space<vmem>>) semaphore(%arg7 : memref<!tpu.dma_semaphore, #tpu.memory_space<semaphore_mem>>)
    %scan3A = arith.constant 0 : i32
    %scan3A_14 = arith.constant 0 : i32
    %scan3A_15 = arith.constant 50 : i32
    %scan3A_16 = arith.addi %scan3A_14, %scan3A_15 : i32
    %scan3A_17 = arith.constant 1 : i32
    scf.for %scan3A_30 = %scan3A_14 to %scan3A_16 step %scan3A_17  : i32 {
      %rem3A = arith.constant 2 : i32
      %rem3A_31 = arith.remsi %scan3A_30, %rem3A : i32
      %dma_wait3A_32 = arith.constant 0 : i32
      %dma_wait3A_33 = arith.constant 0 : i32
      %dma_wait3A_34 = tpu.memref_slice %arg6[%rem3A_31, %dma_wait3A_32, %dma_wait3A_33] : memref<2x128x56xf32, #tpu.memory_space<vmem>> -> memref<1x128x56xf32, #tpu.memory_space<vmem>>
      %dma_wait3A_35 = tpu.memref_squeeze %dma_wait3A_34 : memref<1x128x56xf32, #tpu.memory_space<vmem>> -> memref<128x56xf32, #tpu.memory_space<vmem>>
      %dma_wait3A_36 = arith.constant 0 : i32
      %dma_wait3A_37 = tpu.memref_slice %arg5[%scan3A_30, %dma_wait3A_36] : memref<50x128xi32, #tpu.memory_space<vmem>> -> memref<1x128xi32, #tpu.memory_space<vmem>>
      %dma_wait3A_38 = tpu.memref_squeeze %dma_wait3A_37 : memref<1x128xi32, #tpu.memory_space<vmem>> -> memref<128xi32, #tpu.memory_space<vmem>>
      %dma_wait3A_39 = arith.constant 0 : i32
      %dma_wait3A_40 = arith.constant 0 : i32
      %dma_wait3A_41 = tpu.memref_slice %arg3[%dma_wait3A_39, %dma_wait3A_40] : memref<114688x56xf32, #tpu.memory_space<hbm>> -> memref<114688x56xf32, #tpu.memory_space<hbm>>
      tpu.wait_indirect_dma semaphore(%arg7 : memref<!tpu.dma_semaphore, #tpu.memory_space<semaphore_mem>>) src(%dma_wait3A_41 : memref<114688x56xf32, #tpu.memory_space<hbm>>) dst(%dma_wait3A_35 : memref<128x56xf32, #tpu.memory_space<vmem>>)
      %add3A_42 = arith.constant 1 : i32
      %add3A_43 = arith.addi %scan3A_30, %add3A_42 : i32
      %min3A = arith.constant 49 : i32
      %min3A_44 = arith.minsi %add3A_43, %min3A : i32
      %sub3A = arith.constant 1 : i32
      %sub3A_45 = arith.subi %sub3A, %rem3A_31 : i32
      %dma_start3A_46 = arith.constant 0 : i32
      %dma_start3A_47 = arith.constant 0 : i32
      %dma_start3A_48 = tpu.memref_slice %arg6[%sub3A_45, %dma_start3A_46, %dma_start3A_47] : memref<2x128x56xf32, #tpu.memory_space<vmem>> -> memref<1x128x56xf32, #tpu.memory_space<vmem>>
      %dma_start3A_49 = tpu.memref_squeeze %dma_start3A_48 : memref<1x128x56xf32, #tpu.memory_space<vmem>> -> memref<128x56xf32, #tpu.memory_space<vmem>>
      %dma_start3A_50 = arith.constant 0 : i32
      %dma_start3A_51 = tpu.memref_slice %arg5[%min3A_44, %dma_start3A_50] : memref<50x128xi32, #tpu.memory_space<vmem>> -> memref<1x128xi32, #tpu.memory_space<vmem>>
      %dma_start3A_52 = tpu.memref_squeeze %dma_start3A_51 : memref<1x128xi32, #tpu.memory_space<vmem>> -> memref<128xi32, #tpu.memory_space<vmem>>
      %dma_start3A_53 = arith.constant 0 : i32
      %dma_start3A_54 = arith.constant 0 : i32
      %dma_start3A_55 = tpu.memref_slice %arg3[%dma_start3A_53, %dma_start3A_54] : memref<114688x56xf32, #tpu.memory_space<hbm>> -> memref<114688x56xf32, #tpu.memory_space<hbm>>
      tpu.enqueue_indirect_dma source(%dma_start3A_55 : memref<114688x56xf32, #tpu.memory_space<hbm>>) target(%dma_start3A_49 : memref<128x56xf32, #tpu.memory_space<vmem>>) offsets(%dma_start3A_52 : memref<128xi32, #tpu.memory_space<vmem>>) semaphore(%arg7 : memref<!tpu.dma_semaphore, #tpu.memory_space<semaphore_mem>>)
      %add3A_56 = arith.addi %mul3A_2, %scan3A_30 : i32
      %mul3A_57 = arith.constant 128 : i32
      %mul3A_58 = arith.muli %add3A_56, %mul3A_57 : i32
      "tpu.region"() ({
        %run_scoped3A = tpu.sem_alloc : memref<!tpu.dma_semaphore, #tpu.memory_space<semaphore_mem>>
        %dma_start3A_59 = arith.constant 0 : i32
        %dma_start3A_60 = arith.constant 0 : i32
        %dma_start3A_61 = tpu.memref_slice %arg6[%rem3A_31, %dma_start3A_59, %dma_start3A_60] : memref<2x128x56xf32, #tpu.memory_space<vmem>> -> memref<1x128x56xf32, #tpu.memory_space<vmem>>
        %dma_start3A_62 = tpu.memref_squeeze %dma_start3A_61 : memref<1x128x56xf32, #tpu.memory_space<vmem>> -> memref<128x56xf32, #tpu.memory_space<vmem>>
        %dma_start3A_63 = arith.constant 0 : i32
        %dma_start3A_64 = tpu.memref_slice %arg4[%mul3A_58, %dma_start3A_63] : memref<204800x128xf32, #tpu.memory_space<hbm>> -> memref<128x56xf32, #tpu.memory_space<hbm>>
        %dma_start3A_65 = arith.constant 0 : i32
        %dma_start3A_66 = tpu.memref_slice %arg4[%mul3A_58, %dma_start3A_65] : memref<204800x128xf32, #tpu.memory_space<hbm>> -> memref<128x56xf32, #tpu.memory_space<hbm>>
        %dma_start3A_67 = arith.constant 0 : i32
        %dma_start3A_68 = arith.constant 0 : i32
        %dma_start3A_69 = tpu.memref_slice %arg6[%rem3A_31, %dma_start3A_67, %dma_start3A_68] : memref<2x128x56xf32, #tpu.memory_space<vmem>> -> memref<1x128x56xf32, #tpu.memory_space<vmem>>
        %dma_start3A_70 = tpu.memref_squeeze %dma_start3A_69 : memref<1x128x56xf32, #tpu.memory_space<vmem>> -> memref<128x56xf32, #tpu.memory_space<vmem>>
        tpu.enqueue_dma source(%dma_start3A_70 : memref<128x56xf32, #tpu.memory_space<vmem>>) target(%dma_start3A_66 : memref<128x56xf32, #tpu.memory_space<hbm>>) target_semaphore(%run_scoped3A : memref<!tpu.dma_semaphore, #tpu.memory_space<semaphore_mem>>)
        %dma_wait3A_71 = arith.constant 0 : i32
        %dma_wait3A_72 = arith.constant 0 : i32
        %dma_wait3A_73 = tpu.memref_slice %arg6[%rem3A_31, %dma_wait3A_71, %dma_wait3A_72] : memref<2x128x56xf32, #tpu.memory_space<vmem>> -> memref<1x128x56xf32, #tpu.memory_space<vmem>>
        %dma_wait3A_74 = tpu.memref_squeeze %dma_wait3A_73 : memref<1x128x56xf32, #tpu.memory_space<vmem>> -> memref<128x56xf32, #tpu.memory_space<vmem>>
        %dma_wait3A_75 = arith.constant 0 : i32
        %dma_wait3A_76 = tpu.memref_slice %arg4[%mul3A_58, %dma_wait3A_75] : memref<204800x128xf32, #tpu.memory_space<hbm>> -> memref<128x56xf32, #tpu.memory_space<hbm>>
        %dma_wait3A_77 = arith.constant 0 : i32
        %dma_wait3A_78 = tpu.memref_slice %arg4[%mul3A_58, %dma_wait3A_77] : memref<204800x128xf32, #tpu.memory_space<hbm>> -> memref<128x56xf32, #tpu.memory_space<hbm>>
        %dma_wait3A_79 = arith.constant 0 : i32
        %dma_wait3A_80 = arith.constant 0 : i32
        %dma_wait3A_81 = tpu.memref_slice %arg6[%rem3A_31, %dma_wait3A_79, %dma_wait3A_80] : memref<2x128x56xf32, #tpu.memory_space<vmem>> -> memref<1x128x56xf32, #tpu.memory_space<vmem>>
        %dma_wait3A_82 = tpu.memref_squeeze %dma_wait3A_81 : memref<1x128x56xf32, #tpu.memory_space<vmem>> -> memref<128x56xf32, #tpu.memory_space<vmem>>
        tpu.wait_dma2 semaphore(%run_scoped3A : memref<!tpu.dma_semaphore, #tpu.memory_space<semaphore_mem>>) src(%dma_wait3A_82 : memref<128x56xf32, #tpu.memory_space<vmem>>) dst(%dma_wait3A_78 : memref<128x56xf32, #tpu.memory_space<hbm>>)
        tpu.yield
      }) : () -> ()
    }
    %scan3A_18 = arith.constant 50 : i32
    %dma_wait3A = arith.constant 49 : i32
    %dma_wait3A_19 = arith.constant 0 : i32
    %dma_wait3A_20 = arith.constant 0 : i32
    %dma_wait3A_21 = arith.constant 0 : i32
    %dma_wait3A_22 = tpu.memref_slice %arg6[%dma_wait3A_19, %dma_wait3A_20, %dma_wait3A_21] : memref<2x128x56xf32, #tpu.memory_space<vmem>> -> memref<1x128x56xf32, #tpu.memory_space<vmem>>
    %dma_wait3A_23 = tpu.memref_squeeze %dma_wait3A_22 : memref<1x128x56xf32, #tpu.memory_space<vmem>> -> memref<128x56xf32, #tpu.memory_space<vmem>>
    %dma_wait3A_24 = arith.constant 0 : i32
    %dma_wait3A_25 = tpu.memref_slice %arg5[%dma_wait3A, %dma_wait3A_24] : memref<50x128xi32, #tpu.memory_space<vmem>> -> memref<1x128xi32, #tpu.memory_space<vmem>>
    %dma_wait3A_26 = tpu.memref_squeeze %dma_wait3A_25 : memref<1x128xi32, #tpu.memory_space<vmem>> -> memref<128xi32, #tpu.memory_space<vmem>>
    %dma_wait3A_27 = arith.constant 0 : i32
    %dma_wait3A_28 = arith.constant 0 : i32
    %dma_wait3A_29 = tpu.memref_slice %arg3[%dma_wait3A_27, %dma_wait3A_28] : memref<114688x56xf32, #tpu.memory_space<hbm>> -> memref<114688x56xf32, #tpu.memory_space<hbm>>
    tpu.wait_indirect_dma semaphore(%arg7 : memref<!tpu.dma_semaphore, #tpu.memory_space<semaphore_mem>>) src(%dma_wait3A_29 : memref<114688x56xf32, #tpu.memory_space<hbm>>) dst(%dma_wait3A_23 : memref<128x56xf32, #tpu.memory_space<vmem>>)
    return
  }
}

module attributes {stable_mosaic.version = 14 : i64} {
  func.func @body(%arg0: i32, %arg1: memref<50x16384xf32, #tpu.memory_space<vmem>>, %arg2: memref<16384x56xf32, #tpu.memory_space<vmem>>) attributes {dimension_semantics = [#tpu.dimension_semantics<arbitrary>], iteration_bounds = array<i64: 62>, scalar_prefetch = 0 : i64, scratch_operands = 0 : i64, tpu.core_type = #tpu.core_type<tc>, window_params = [{transform_indices = @transform_0, window_bounds = array<i64: 50, 16384>}, {transform_indices = @transform_1, window_bounds = array<i64: 16384, 56>}]} {
    %get3A = arith.constant 0 : index
    %get3A_0 = arith.constant 0 : index
    %get3A_1 = vector.load %arg1[%get3A, %get3A_0] : memref<50x16384xf32, #tpu.memory_space<vmem>>, vector<50x16384xf32>
    %transpose3A = tpu.transpose %get3A_1, [1, 0] : vector<50x16384xf32> -> vector<16384x50xf32>
    %broadcast_in_dim3A = arith.constant 0.000000e+00 : f32
    %broadcast_in_dim3A_2 = vector.broadcast %broadcast_in_dim3A : f32 to vector<16384x6xf32>
    %concatenate3A = tpu.concatenate %transpose3A, %broadcast_in_dim3A_2 in 1 : vector<16384x50xf32>, vector<16384x6xf32> -> vector<16384x56xf32>
    %swap3A = arith.constant 0 : index
    %swap3A_3 = arith.constant 0 : index
    %swap3A_4 = vector.load %arg2[%swap3A, %swap3A_3] : memref<16384x56xf32, #tpu.memory_space<vmem>>, vector<16384x56xf32>
    tpu.vector_store %arg2[%swap3A, %swap3A_3], %concatenate3A {strides = array<i32>} : memref<16384x56xf32, #tpu.memory_space<vmem>>, vector<16384x56xf32>,
    return
  }
  func.func @transform_0(%arg0: i32) -> (i32, i32) {
    %c0_i32 = arith.constant 0 : i32
    %c0_i32_0 = arith.constant 0 : i32
    return %c0_i32, %arg0 : i32, i32
  }
  func.func @transform_1(%arg0: i32) -> (i32, i32) {
    %c0_i32 = arith.constant 0 : i32
    %c0_i32_0 = arith.constant 0 : i32
    return %arg0, %c0_i32 : i32, i32
  }
}

module attributes {stable_mosaic.version = 14 : i64} {
  func.func @body(%arg0: i32, %arg1: memref<50x16384xf32, #tpu.memory_space<vmem>>, %arg2: memref<16384x56xf32, #tpu.memory_space<vmem>>) attributes {dimension_semantics = [#tpu.dimension_semantics<arbitrary>], iteration_bounds = array<i64: 7>, scalar_prefetch = 0 : i64, scratch_operands = 0 : i64, tpu.core_type = #tpu.core_type<tc>, window_params = [{transform_indices = @transform_0, window_bounds = array<i64: 50, 16384>}, {transform_indices = @transform_1, window_bounds = array<i64: 16384, 56>}]} {
    %get3A = arith.constant 0 : index
    %get3A_0 = arith.constant 0 : index
    %get3A_1 = vector.load %arg1[%get3A, %get3A_0] : memref<50x16384xf32, #tpu.memory_space<vmem>>, vector<50x16384xf32>
    %transpose3A = tpu.transpose %get3A_1, [1, 0] : vector<50x16384xf32> -> vector<16384x50xf32>
    %broadcast_in_dim3A = arith.constant 0.000000e+00 : f32
    %broadcast_in_dim3A_2 = vector.broadcast %broadcast_in_dim3A : f32 to vector<16384x6xf32>
    %concatenate3A = tpu.concatenate %transpose3A, %broadcast_in_dim3A_2 in 1 : vector<16384x50xf32>, vector<16384x6xf32> -> vector<16384x56xf32>
    %swap3A = arith.constant 0 : index
    %swap3A_3 = arith.constant 0 : index
    %swap3A_4 = vector.load %arg2[%swap3A, %swap3A_3] : memref<16384x56xf32, #tpu.memory_space<vmem>>, vector<16384x56xf32>
    tpu.vector_store %arg2[%swap3A, %swap3A_3], %concatenate3A {strides = array<i32>} : memref<16384x56xf32, #tpu.memory_space<vmem>>, vector<16384x56xf32>,
    return
  }
  func.func @transform_0(%arg0: i32) -> (i32, i32) {
    %c0_i32 = arith.constant 0 : i32
    %c0_i32_0 = arith.constant 0 : i32
    return %c0_i32, %arg0 : i32, i32
  }
  func.func @transform_1(%arg0: i32) -> (i32, i32) {
    %c0_i32 = arith.constant 0 : i32
    %c0_i32_0 = arith.constant 0 : i32
    return %arg0, %c0_i32 : i32, i32
  }
}

module attributes {stable_mosaic.version = 14 : i64} {
  func.func @body(%arg0: i32, %arg1: memref<50x16384xf32, #tpu.memory_space<vmem>>, %arg2: memref<16384x56xf32, #tpu.memory_space<vmem>>) attributes {dimension_semantics = [#tpu.dimension_semantics<arbitrary>], iteration_bounds = array<i64: 1>, scalar_prefetch = 0 : i64, scratch_operands = 0 : i64, tpu.core_type = #tpu.core_type<tc>, window_params = [{transform_indices = @transform_0, window_bounds = array<i64: 50, 16384>}, {transform_indices = @transform_1, window_bounds = array<i64: 16384, 56>}]} {
    %get3A = arith.constant 0 : index
    %get3A_0 = arith.constant 0 : index
    %get3A_1 = vector.load %arg1[%get3A, %get3A_0] : memref<50x16384xf32, #tpu.memory_space<vmem>>, vector<50x16384xf32>
    %transpose3A = tpu.transpose %get3A_1, [1, 0] : vector<50x16384xf32> -> vector<16384x50xf32>
    %broadcast_in_dim3A = arith.constant 0.000000e+00 : f32
    %broadcast_in_dim3A_2 = vector.broadcast %broadcast_in_dim3A : f32 to vector<16384x6xf32>
    %concatenate3A = tpu.concatenate %transpose3A, %broadcast_in_dim3A_2 in 1 : vector<16384x50xf32>, vector<16384x6xf32> -> vector<16384x56xf32>
    %swap3A = arith.constant 0 : index
    %swap3A_3 = arith.constant 0 : index
    %swap3A_4 = vector.load %arg2[%swap3A, %swap3A_3] : memref<16384x56xf32, #tpu.memory_space<vmem>>, vector<16384x56xf32>
    tpu.vector_store %arg2[%swap3A, %swap3A_3], %concatenate3A {strides = array<i32>} : memref<16384x56xf32, #tpu.memory_space<vmem>>, vector<16384x56xf32>,
    return
  }
  func.func @transform_0(%arg0: i32) -> (i32, i32) {
    %c0_i32 = arith.constant 0 : i32
    %c0_i32_0 = arith.constant 0 : i32
    return %c0_i32, %arg0 : i32, i32
  }
  func.func @transform_1(%arg0: i32) -> (i32, i32) {
    %c0_i32 = arith.constant 0 : i32
    %c0_i32_0 = arith.constant 0 : i32
    return %arg0, %c0_i32 : i32, i32
  }
}

module attributes {stable_mosaic.version = 14 : i64} {
  func.func @body(%arg0: i32, %arg1: memref<1x1x4096xi32, #tpu.memory_space<vmem>>, %arg2: memref<1x1x4096xi32, #tpu.memory_space<vmem>>, %arg3: memref<4096x128xf32, #tpu.memory_space<vmem>>, %arg4: memref<4096x128xf32, #tpu.memory_space<vmem>>, %arg5: memref<4096x128xf32, #tpu.memory_space<vmem>>, %arg6: memref<50x150xf32, #tpu.memory_space<vmem>>, %arg7: memref<50x150xf32, #tpu.memory_space<vmem>>, %arg8: memref<50x150xf32, #tpu.memory_space<vmem>>, %arg9: memref<16x150xf32, #tpu.memory_space<vmem>>, %arg10: memref<1x150xf32, #tpu.memory_space<vmem>>, %arg11: memref<150x100xf32, #tpu.memory_space<vmem>>, %arg12: memref<1x100xf32, #tpu.memory_space<vmem>>, %arg13: memref<1x100xf32, #tpu.memory_space<vmem>>, %arg14: memref<1x100xf32, #tpu.memory_space<vmem>>, %arg15: memref<4096x100xf32, #tpu.memory_space<vmem>>) attributes {dimension_semantics = [#tpu.dimension_semantics<parallel>], iteration_bounds = array<i64: 50>, scalar_prefetch = 0 : i64, scratch_operands = 0 : i64, tpu.core_type = #tpu.core_type<tc>, window_params = [{transform_indices = @transform_0, window_bounds = array<i64: 1, 1, 4096>}, {transform_indices = @transform_1, window_bounds = array<i64: 1, 1, 4096>}, {transform_indices = @transform_2, window_bounds = array<i64: 4096, 128>}, {transform_indices = @transform_3, window_bounds = array<i64: 4096, 128>}, {transform_indices = @transform_4, window_bounds = array<i64: 4096, 128>}, {pipeline_mode = #tpu.pipeline_mode<synchronous>, transform_indices = @transform_5, window_bounds = array<i64: 50, 150>}, {pipeline_mode = #tpu.pipeline_mode<synchronous>, transform_indices = @transform_6, window_bounds = array<i64: 50, 150>}, {pipeline_mode = #tpu.pipeline_mode<synchronous>, transform_indices = @transform_7, window_bounds = array<i64: 50, 150>}, {pipeline_mode = #tpu.pipeline_mode<synchronous>, transform_indices = @transform_8, window_bounds = array<i64: 16, 150>}, {pipeline_mode = #tpu.pipeline_mode<synchronous>, transform_indices = @transform_9, window_bounds = array<i64: 1, 150>}, {pipeline_mode = #tpu.pipeline_mode<synchronous>, transform_indices = @transform_10, window_bounds = array<i64: 150, 100>}, {pipeline_mode = #tpu.pipeline_mode<synchronous>, transform_indices = @transform_11, window_bounds = array<i64: 1, 100>}, {pipeline_mode = #tpu.pipeline_mode<synchronous>, transform_indices = @transform_12, window_bounds = array<i64: 1, 100>}, {pipeline_mode = #tpu.pipeline_mode<synchronous>, transform_indices = @transform_13, window_bounds = array<i64: 1, 100>}, {transform_indices = @transform_14, window_bounds = array<i64: 4096, 100>}]} {
    %get3A = arith.constant 0 : index
    %get3A_0 = arith.constant 0 : index
    %get3A_1 = arith.constant 0 : index
    %get3A_2 = vector.load %arg1[%get3A, %get3A_0, %get3A_1] : memref<1x1x4096xi32, #tpu.memory_space<vmem>>, vector<1x1x4096xi32>
    %get3A_3 = vector.shape_cast %get3A_2 : vector<1x1x4096xi32> to vector<4096xi32>
    %get3A_4 = arith.constant 0 : index
    %get3A_5 = arith.constant 0 : index
    %get3A_6 = arith.constant 0 : index
    %get3A_7 = vector.load %arg2[%get3A_4, %get3A_5, %get3A_6] : memref<1x1x4096xi32, #tpu.memory_space<vmem>>, vector<1x1x4096xi32>
    %get3A_8 = vector.shape_cast %get3A_7 : vector<1x1x4096xi32> to vector<4096xi32>
    %iota3A = tpu.iota {dimensions = array<i32: 1>} : vector<4096x16xi32>
    %broadcast_in_dim3A = vector.shape_cast %get3A_3 : vector<4096xi32> to vector<4096x1xi32>
    %eq3A = vector.broadcast %broadcast_in_dim3A : vector<4096x1xi32> to vector<4096x16xi32>
    %eq3A_9 = arith.cmpi eq, %eq3A, %iota3A : vector<4096x16xi32>
    %broadcast_in_dim3A_10 = vector.shape_cast %get3A_8 : vector<4096xi32> to vector<4096x1xi32>
    %add3A = arith.constant 5 : i32
    %add3A_11 = vector.broadcast %add3A : i32 to vector<4096x1xi32>
    %add3A_12 = arith.addi %broadcast_in_dim3A_10, %add3A_11 : vector<4096x1xi32>
    %eq3A_13 = vector.broadcast %add3A_12 : vector<4096x1xi32> to vector<4096x16xi32>
    %eq3A_14 = arith.cmpi eq, %eq3A_13, %iota3A : vector<4096x16xi32>
    %or3A = arith.ori %eq3A_9, %eq3A_14 : vector<4096x16xi1>
    %convert_element_type3A = arith.extui %or3A : vector<4096x16xi1> to vector<4096x16xi32>
    %convert_element_type3A_15 = arith.sitofp %convert_element_type3A : vector<4096x16xi32> to vector<4096x16xf32>
    %get3A_16 = arith.constant 0 : index
    %get3A_17 = arith.constant 0 : index
    %get3A_18 = vector.load %arg3[%get3A_16, %get3A_17] : memref<4096x128xf32, #tpu.memory_space<vmem>>, vector<4096x50xf32>
    %get3A_19 = arith.constant 0 : index
    %get3A_20 = arith.constant 0 : index
    %get3A_21 = vector.load %arg6[%get3A_19, %get3A_20] : memref<50x150xf32, #tpu.memory_space<vmem>>, vector<50x150xf32>
    %dot_general3A = arith.constant dense<0.000000e+00> : vector<4096x150xf32>
    %dot_general3A_22 = tpu.matmul %get3A_18, %get3A_21, %dot_general3A {dimension_numbers = #tpu.dot_dimension_numbers<[1], [0], [0], [1], [0, 0, 1, 1], [], []>, transpose_lhs_hint = false} : vector<4096x50xf32>, vector<50x150xf32>, vector<4096x150xf32> -> vector<4096x150xf32>
    %get3A_23 = arith.constant 0 : index
    %get3A_24 = arith.constant 0 : index
    %get3A_25 = vector.load %arg4[%get3A_23, %get3A_24] : memref<4096x128xf32, #tpu.memory_space<vmem>>, vector<4096x50xf32>
    %get3A_26 = arith.constant 0 : index
    %get3A_27 = arith.constant 0 : index
    %get3A_28 = vector.load %arg7[%get3A_26, %get3A_27] : memref<50x150xf32, #tpu.memory_space<vmem>>, vector<50x150xf32>
    %dot_general3A_29 = arith.constant dense<0.000000e+00> : vector<4096x150xf32>
    %dot_general3A_30 = tpu.matmul %get3A_25, %get3A_28, %dot_general3A_29 {dimension_numbers = #tpu.dot_dimension_numbers<[1], [0], [0], [1], [0, 0, 1, 1], [], []>, transpose_lhs_hint = false} : vector<4096x50xf32>, vector<50x150xf32>, vector<4096x150xf32> -> vector<4096x150xf32>
    %add3A_31 = arith.addf %dot_general3A_22, %dot_general3A_30 : vector<4096x150xf32>
    %get3A_32 = arith.constant 0 : index
    %get3A_33 = arith.constant 0 : index
    %get3A_34 = vector.load %arg5[%get3A_32, %get3A_33] : memref<4096x128xf32, #tpu.memory_space<vmem>>, vector<4096x50xf32>
    %get3A_35 = arith.constant 0 : index
    %get3A_36 = arith.constant 0 : index
    %get3A_37 = vector.load %arg8[%get3A_35, %get3A_36] : memref<50x150xf32, #tpu.memory_space<vmem>>, vector<50x150xf32>
    %dot_general3A_38 = arith.constant dense<0.000000e+00> : vector<4096x150xf32>
    %dot_general3A_39 = tpu.matmul %get3A_34, %get3A_37, %dot_general3A_38 {dimension_numbers = #tpu.dot_dimension_numbers<[1], [0], [0], [1], [0, 0, 1, 1], [], []>, transpose_lhs_hint = false} : vector<4096x50xf32>, vector<50x150xf32>, vector<4096x150xf32> -> vector<4096x150xf32>
    %add3A_40 = arith.addf %add3A_31, %dot_general3A_39 : vector<4096x150xf32>
    %get3A_41 = arith.constant 0 : index
    %get3A_42 = arith.constant 0 : index
    %get3A_43 = vector.load %arg9[%get3A_41, %get3A_42] : memref<16x150xf32, #tpu.memory_space<vmem>>, vector<16x150xf32>
    %dot_general3A_44 = arith.constant dense<0.000000e+00> : vector<4096x150xf32>
    %dot_general3A_45 = tpu.matmul %convert_element_type3A_15, %get3A_43, %dot_general3A_44 {dimension_numbers = #tpu.dot_dimension_numbers<[1], [0], [0], [1], [0, 0, 1, 1], [], []>, transpose_lhs_hint = false} : vector<4096x16xf32>, vector<16x150xf32>, vector<4096x150xf32> -> vector<4096x150xf32>
    %add3A_46 = arith.addf %add3A_40, %dot_general3A_45 : vector<4096x150xf32>
    %get3A_47 = arith.constant 0 : index
    %get3A_48 = arith.constant 0 : index
    %get3A_49 = vector.load %arg10[%get3A_47, %get3A_48] : memref<1x150xf32, #tpu.memory_space<vmem>>, vector<1x150xf32>
    %add3A_50 = vector.broadcast %get3A_49 : vector<1x150xf32> to vector<4096x150xf32>
    %add3A_51 = arith.addf %add3A_46, %add3A_50 : vector<4096x150xf32>
    %gt3A = arith.constant 0.000000e+00 : f32
    %gt3A_52 = vector.broadcast %gt3A : f32 to vector<4096x150xf32>
    %gt3A_53 = arith.cmpf ogt, %add3A_51, %gt3A_52 : vector<4096x150xf32>
    %exp3A = math.exp %add3A_51 : vector<4096x150xf32>
    %sub3A = arith.constant 1.000000e+00 : f32
    %sub3A_54 = vector.broadcast %sub3A : f32 to vector<4096x150xf32>
    %sub3A_55 = arith.subf %exp3A, %sub3A_54 : vector<4096x150xf32>
    %select_n3A = arith.select %gt3A_53, %add3A_51, %sub3A_55 : vector<4096x150xi1>, vector<4096x150xf32>
    %get3A_56 = arith.constant 0 : index
    %get3A_57 = arith.constant 0 : index
    %get3A_58 = vector.load %arg11[%get3A_56, %get3A_57] : memref<150x100xf32, #tpu.memory_space<vmem>>, vector<150x100xf32>
    %dot_general3A_59 = arith.constant dense<0.000000e+00> : vector<4096x100xf32>
    %dot_general3A_60 = tpu.matmul %select_n3A, %get3A_58, %dot_general3A_59 {dimension_numbers = #tpu.dot_dimension_numbers<[1], [0], [0], [1], [0, 0, 1, 1], [], []>, transpose_lhs_hint = false} : vector<4096x150xf32>, vector<150x100xf32>, vector<4096x100xf32> -> vector<4096x100xf32>
    %get3A_61 = arith.constant 0 : index
    %get3A_62 = arith.constant 0 : index
    %get3A_63 = vector.load %arg12[%get3A_61, %get3A_62] : memref<1x100xf32, #tpu.memory_space<vmem>>, vector<1x100xf32>
    %add3A_64 = vector.broadcast %get3A_63 : vector<1x100xf32> to vector<4096x100xf32>
    %add3A_65 = arith.addf %dot_general3A_60, %add3A_64 : vector<4096x100xf32>
    %gt3A_66 = arith.constant 0.000000e+00 : f32
    %gt3A_67 = vector.broadcast %gt3A_66 : f32 to vector<4096x100xf32>
    %gt3A_68 = arith.cmpf ogt, %add3A_65, %gt3A_67 : vector<4096x100xf32>
    %exp3A_69 = math.exp %add3A_65 : vector<4096x100xf32>
    %sub3A_70 = arith.constant 1.000000e+00 : f32
    %sub3A_71 = vector.broadcast %sub3A_70 : f32 to vector<4096x100xf32>
    %sub3A_72 = arith.subf %exp3A_69, %sub3A_71 : vector<4096x100xf32>
    %select_n3A_73 = arith.select %gt3A_68, %add3A_65, %sub3A_72 : vector<4096x100xi1>, vector<4096x100xf32>
    %get3A_74 = arith.constant 0 : index
    %get3A_75 = arith.constant 0 : index
    %get3A_76 = vector.load %arg13[%get3A_74, %get3A_75] : memref<1x100xf32, #tpu.memory_space<vmem>>, vector<1x100xf32>
    %mul3A = vector.broadcast %get3A_76 : vector<1x100xf32> to vector<4096x100xf32>
    %mul3A_77 = arith.mulf %select_n3A_73, %mul3A : vector<4096x100xf32>
    %get3A_78 = arith.constant 0 : index
    %get3A_79 = arith.constant 0 : index
    %get3A_80 = vector.load %arg14[%get3A_78, %get3A_79] : memref<1x100xf32, #tpu.memory_space<vmem>>, vector<1x100xf32>
    %add3A_81 = vector.broadcast %get3A_80 : vector<1x100xf32> to vector<4096x100xf32>
    %add3A_82 = arith.addf %mul3A_77, %add3A_81 : vector<4096x100xf32>
    %swap3A = arith.constant 0 : index
    %swap3A_83 = arith.constant 0 : index
    %swap3A_84 = vector.load %arg15[%swap3A, %swap3A_83] : memref<4096x100xf32, #tpu.memory_space<vmem>>, vector<4096x100xf32>
    tpu.vector_store %arg15[%swap3A, %swap3A_83], %add3A_82 {strides = array<i32>} : memref<4096x100xf32, #tpu.memory_space<vmem>>, vector<4096x100xf32>,
    return
  }
  func.func @transform_0(%arg0: i32) -> (i32, i32, i32) {
    %c0_i32 = arith.constant 0 : i32
    %c0_i32_0 = arith.constant 0 : i32
    %c0_i32_1 = arith.constant 0 : i32
    return %arg0, %c0_i32, %c0_i32_0 : i32, i32, i32
  }
  func.func @transform_1(%arg0: i32) -> (i32, i32, i32) {
    %c0_i32 = arith.constant 0 : i32
    %c0_i32_0 = arith.constant 0 : i32
    %c0_i32_1 = arith.constant 0 : i32
    return %arg0, %c0_i32, %c0_i32_0 : i32, i32, i32
  }
  func.func @transform_2(%arg0: i32) -> (i32, i32) {
    %c0_i32 = arith.constant 0 : i32
    %c0_i32_0 = arith.constant 0 : i32
    return %arg0, %c0_i32 : i32, i32
  }
  func.func @transform_3(%arg0: i32) -> (i32, i32) {
    %c0_i32 = arith.constant 0 : i32
    %c0_i32_0 = arith.constant 0 : i32
    return %arg0, %c0_i32 : i32, i32
  }
  func.func @transform_4(%arg0: i32) -> (i32, i32) {
    %c0_i32 = arith.constant 0 : i32
    %c0_i32_0 = arith.constant 0 : i32
    return %arg0, %c0_i32 : i32, i32
  }
  func.func @transform_5(%arg0: i32) -> (i32, i32) {
    %c0_i32 = arith.constant 0 : i32
    %c0_i32_0 = arith.constant 0 : i32
    %c0_i32_1 = arith.constant 0 : i32
    return %c0_i32, %c0_i32_0 : i32, i32
  }
  func.func @transform_6(%arg0: i32) -> (i32, i32) {
    %c0_i32 = arith.constant 0 : i32
    %c0_i32_0 = arith.constant 0 : i32
    %c0_i32_1 = arith.constant 0 : i32
    return %c0_i32, %c0_i32_0 : i32, i32
  }
  func.func @transform_7(%arg0: i32) -> (i32, i32) {
    %c0_i32 = arith.constant 0 : i32
    %c0_i32_0 = arith.constant 0 : i32
    %c0_i32_1 = arith.constant 0 : i32
    return %c0_i32, %c0_i32_0 : i32, i32
  }
  func.func @transform_8(%arg0: i32) -> (i32, i32) {
    %c0_i32 = arith.constant 0 : i32
    %c0_i32_0 = arith.constant 0 : i32
    %c0_i32_1 = arith.constant 0 : i32
    return %c0_i32, %c0_i32_0 : i32, i32
  }
  func.func @transform_9(%arg0: i32) -> (i32, i32) {
    %c0_i32 = arith.constant 0 : i32
    %c0_i32_0 = arith.constant 0 : i32
    %c0_i32_1 = arith.constant 0 : i32
    return %c0_i32, %c0_i32_0 : i32, i32
  }
  func.func @transform_10(%arg0: i32) -> (i32, i32) {
    %c0_i32 = arith.constant 0 : i32
    %c0_i32_0 = arith.constant 0 : i32
    %c0_i32_1 = arith.constant 0 : i32
    return %c0_i32, %c0_i32_0 : i32, i32
  }
  func.func @transform_11(%arg0: i32) -> (i32, i32) {
    %c0_i32 = arith.constant 0 : i32
    %c0_i32_0 = arith.constant 0 : i32
    %c0_i32_1 = arith.constant 0 : i32
    return %c0_i32, %c0_i32_0 : i32, i32
  }
  func.func @transform_12(%arg0: i32) -> (i32, i32) {
    %c0_i32 = arith.constant 0 : i32
    %c0_i32_0 = arith.constant 0 : i32
    %c0_i32_1 = arith.constant 0 : i32
    return %c0_i32, %c0_i32_0 : i32, i32
  }
  func.func @transform_13(%arg0: i32) -> (i32, i32) {
    %c0_i32 = arith.constant 0 : i32
    %c0_i32_0 = arith.constant 0 : i32
    %c0_i32_1 = arith.constant 0 : i32
    return %c0_i32, %c0_i32_0 : i32, i32
  }
  func.func @transform_14(%arg0: i32) -> (i32, i32) {
    %c0_i32 = arith.constant 0 : i32
    %c0_i32_0 = arith.constant 0 : i32
    return %arg0, %c0_i32 : i32, i32
  }
}

</mosaic_0001>

<sc_bundles>
// kernel: kernel.12.cloned.1.call-start
scs
__scs_entry_jumppad:
0x0: {  	(pc) =	sbr.rel $0x88, $3  }
0x1: {  	(tag) =	ssettag $0x0;
	lr =	simm.s32 $0x1  }
0x2: {  	[smem:$0x3F91] =	sst lr;
	_ =	strace $0xD0000000  }
0x3: {  	_ = 	snop  }
0x4: {  	_ = 	snop  }
0x5: {  	_ = 	snop  }
0x6: {  	_ = 	snop  }
0x7: {  	_ = 	snop  }
__scs_overlays_trampoline_lowered:
0x8: {  	[smem:$0x3FA0] =	sst s0  }
0x9: {  	[smem:$0x3FA1] =	sst s1  }
0xa: {  	[smem:$0x3FA2] =	sst s2  }
0xb: {  	[smem:$0x3FA3] =	sst s3  }
0xc: {  	[smem:$0x3FA4] =	sst s4  }
0xd: {  	[smem:$0x3FA5] =	sst s5  }
0xe: {  	[smem:$0x3FA6] =	sst s6  }
0xf: {  	[smem:$0x3FA7] =	sst s7  }
0x10: {  	[smem:$0x3FA8] =	sst s8  }
0x11: {  	[smem:$0x3FA9] =	sst s9;
	s0 =	simm.s32 @!p0 $0x0  }
0x12: {  	s1 =	sld [smem:$0x3F8F];
	s0 =	simm.s32 @p0 $0x1  }
0x13: {  	[smem:$0x3FAA] =	sst s0;
	s0 =	simm.s32 @!p1 $0x0  }
0x14: {  	s2 =	sld [smem:$0x3F8E];
	s0 =	simm.s32 @p1 $0x1  }
0x15: {  	[smem:$0x3FAB] =	sst s0;
	s0 =	simm.s32 @!p2 $0x0  }
0x16: {  	s3 =	sld [smem:$0x3FDB];
	s0 =	simm.s32 @p2 $0x1  }
0x17: {  	s4 =	simm.s32 $0x1BF5;
	[smem:$0x3FAD] =	sst s0  }
0x18: {  	s0 =	sld [smem:$0x3F90];
	_ =	swait.ge [sflag:s4], $0x0  }
0x19: {  	s7 =	sld [smem:$0x3F91]  }
0x1a: {  	s8 =	sadd.s32 $0xFFFFE003, lr  }
0x1b: {  	s9 =	sadd.s32 $0xFFFFFEF7, lr;
	s5 =	simm.s32 $0xFFFFFFFF;
	p2 =	slt.u32 s8, $0xFFFFF086  }
0x1c: {  	p1 =	slt.u32 s9, $0xF7A;
	s5 =	simm.s32 @!p2 $0x0  }
0x1d: {  	s5 =	simm.s32 @p1 $0x1;
	p0 =	seq.s32 s7, s2  }
0x1e: {  	s7 =	smul.u32 @!p0 $0xF7A, s2;
	p2 =	seq.s32 @!p0 s5, $0x0  }
0x1f: {  	s9 =	smul.u32 $0xF7A, s1;
	s8 =	simm.s32 @!p0 $0x1BF5;
	p2 =	por !p2, p0  }
0x20: {  	[sflag:s8] =	ssyncset.s32 @!p0 $0xFFFFF086;
	s6 =	sadd.s32 @!p0 s3, s7;
	s7 =	simm.s32 @!p0 $0x108  }
0x21: {  	s3 =	sadd.s32 s3, s9;
	s6 =	sadd.s32 @!p0 $0x88, s6;
	s7 =	simm.s32 @p2 $0x1082  }
0x22: {  	[simem:s7], [sflag:s8] =	dma.local @!p0 [hbm:s6], $0xF7A  }
0x23: {  	s9 =	sor.u32 $0xD0000000, s2;
	s6 =	simm.s32 $0x108;
	_ =	swait.ge @!p0 [sflag:s8], $0x0  }
0x24: {  	s3 =	sadd.s32 $0x88, s3;
	s6 =	simm.s32 @!p1 $0x1082;
	[sflag:s4] =	ssyncset.s32 $0xFFFFF086  }
0x25: {  	[simem:s6], [sflag:s4] =	dma.local [hbm:s3], $0xF7A  }
0x26: {  	[smem:$0x3F91] =	sst s1;
	(tag) =	ssettag s2;
	_ =	strace s9  }
0x27: {  	s1 =	sld [smem:$0x3FA1]  }
0x28: {  	s2 =	sld [smem:$0x3FA2]  }
0x29: {  	s4 =	sld [smem:$0x3FA4]  }
0x2a: {  	p0 =	seq.s32 s5, $0x0;
	s5 =	sld [smem:$0x3FA5]  }
0x2b: {  	s6 =	sld [smem:$0x3FA6]  }
0x2c: {  	s7 =	sld [smem:$0x3FA7]  }
0x2d: {  	s3 =	simm.s32 $0x108;
	s8 =	sld [smem:$0x3FA8]  }
0x2e: {  	s3 =	simm.s32 @!p0 $0x1082;
	s9 =	sld [smem:$0x3FA9]  }
0x2f: {  	lr =	sadd.s32 s0, s3;
	s0 =	sld [smem:$0x3FA0]  }
0x30: {  	s3 =	sld [smem:$0x3FA3]  }
0x31: {  	[smem:$0x3FAC] =	sst s10  }
0x32: {  	s10 =	sld [smem:$0x3FAA];
	_ =	sdelay $0x3  }
0x33: {  	p0 =	seq.s32 s10, $0x1;
	s10 =	sld [smem:$0x3FAC];
	_ =	sdelay $0x3  }
0x34: {  	[smem:$0x3FAC] =	sst s10  }
0x35: {  	s10 =	sld [smem:$0x3FAB];
	_ =	sdelay $0x3  }
0x36: {  	p1 =	seq.s32 s10, $0x1;
	s10 =	sld [smem:$0x3FAC];
	_ =	sdelay $0x3  }
0x37: {  	[smem:$0x3FAC] =	sst s10  }
0x38: {  	s10 =	sld [smem:$0x3FAD]  }
0x39: {  	_ = 	snop;
	(pc) =	sbr.ind lr, $3  }
0x3a: {  	_ = 	snop  }
0x3b: {  	_ = 	snop  }
0x3c: {  	p2 =	seq.s32 s10, $0x1;
	s10 =	sld [smem:$0x3FAC]  }
0x3d: {  	_ =	shalt  }
0x3e: {  	_ =	shalt  }
0x3f: {  	_ =	shalt  }
0x40: {  	_ =	shalt  }
0x41: {  	_ =	shalt  }
0x42: {  	_ =	shalt  }
0x43: {  	_ =	shalt  }
0x44: {  	_ =	shalt  }
0x45: {  	_ =	shalt  }
0x46: {  	_ =	shalt  }
0x47: {  	_ =	shalt  }
0x48: {  	_ =	shalt  }
0x49: {  	_ =	shalt  }
0x4a: {  	_ =	shalt  }
0x4b: {  	_ =	shalt  }
0x4c: {  	_ =	shalt  }
0x4d: {  	_ =	shalt  }
0x4e: {  	_ =	shalt  }
0x4f: {  	_ =	shalt  }
0x50: {  	_ =	shalt  }
0x51: {  	_ =	shalt  }
0x52: {  	_ =	shalt  }
0x53: {  	_ =	shalt  }
0x54: {  	_ =	shalt  }
0x55: {  	_ =	shalt  }
0x56: {  	_ =	shalt  }
0x57: {  	_ =	shalt  }
0x58: {  	_ =	shalt  }
0x59: {  	_ =	shalt  }
0x5a: {  	_ =	shalt  }
0x5b: {  	_ =	shalt  }
0x5c: {  	_ =	shalt  }
0x5d: {  	_ =	shalt  }
0x5e: {  	_ =	shalt  }
0x5f: {  	_ =	shalt  }
0x60: {  	_ =	shalt  }
0x61: {  	_ =	shalt  }
0x62: {  	_ =	shalt  }
0x63: {  	_ =	shalt  }
0x64: {  	_ =	shalt  }
0x65: {  	_ =	shalt  }
0x66: {  	_ =	shalt  }
0x67: {  	_ =	shalt  }
0x68: {  	_ =	shalt  }
0x69: {  	_ =	shalt  }
0x6a: {  	_ =	shalt  }
0x6b: {  	_ =	shalt  }
0x6c: {  	_ =	shalt  }
0x6d: {  	_ =	shalt  }
0x6e: {  	_ =	shalt  }
0x6f: {  	_ =	shalt  }
0x70: {  	_ =	shalt  }
0x71: {  	_ =	shalt  }
0x72: {  	_ =	shalt  }
0x73: {  	_ =	shalt  }
0x74: {  	_ =	shalt  }
0x75: {  	_ =	shalt  }
0x76: {  	_ =	shalt  }
0x77: {  	_ =	shalt  }
0x78: {  	_ =	shalt  }
0x79: {  	_ =	shalt  }
0x7a: {  	_ =	shalt  }
0x7b: {  	_ =	shalt  }
0x7c: {  	_ =	shalt  }
0x7d: {  	_ =	shalt  }
0x7e: {  	_ =	shalt  }
0x7f: {  	_ =	shalt  }
0x80: {  	_ =	shalt  }
0x81: {  	_ =	shalt  }
0x82: {  	_ =	shalt  }
0x83: {  	_ =	shalt  }
0x84: {  	_ =	shalt  }
0x85: {  	_ =	shalt  }
0x86: {  	_ =	shalt  }
0x87: {  	_ =	shalt  }
.Lfunc_end0:
.L_simem_size_0:
called_computation.2_lowered:
.L_overlay_start_0:
0x88: {  	s2 =	sld [smem:$0x3FD9]  }
0x89: {  	s3 =	sld [smem:$0x3FFE];
	_ =	sdelay $0x1  }
0x8a: {  	s1 =	srdreg.scid  }
0x8b: {  	s0 =	sand.u32 $0x1, s1  }
0x8c: {  	s17 =	sshll.u32 s0, $0xA;
	s2 =	sadd.s32 s3, s2  }
0x8d: {  	s2 =	sadd.s32 s2, s17  }
0x8e: {  	[smem:$0x3FB8] =	sst s2  }
0x8f: {  	_ = 	snop  }
0x90: {  	(tm) =	ssettm $0x1  }
0x91: {  	s18 =	sld [smem:$0x3FFB];
	_ =	sdelay $0x3  }
0x92: {  	_ =	strace s18  }
0x93: {  	s2 =	sld [smem:$0x3FFC];
	_ =	sdelay $0x3  }
0x94: {  	_ =	strace s2  }
0x95: {  	s2 =	sld [smem:$0x3FFD];
	_ =	sdelay $0x3  }
0x96: {  	_ =	strace s2  }
0x97: {  	_ =	strace $0x8FFFFFFF  }
0x98: {  	s19 =	sld [smem:$0x3FDB];
	_ =	sdelay $0x1  }
0x99: {  	s20 =	simm.s32 $_scs_section_size  }
0x9a: {  	s4 =	simm.s32 $_size__tile_overlayer_lowered;
	s5 =	simm.s32 $_tile_overlayer_lowered  }
0x9b: {  	s6 =	simm.s32 $0x1BFF;
	s21 =	sshll.u32 s5, $0x1;
	s3 =	sadd.s32 s20, s19  }
0x9c: {  	s22 =	simm.s32 $0x0;
	s4 =	sshll.u32 s4, $0x1;
	s5 =	sadd.s32 s21, s3  }
0x9d: {  	[timem:s22], [sflag:s6] =	dma.local [hbm:s5], s4  }
0x9e: {  	_ =	swait.ge [sflag:s6], s4  }
0x9f: {  	s4 =	ssub.s32 $0x0, s4;
	[sflag:s6] =	ssyncset.done $0x0  }
0xa0: {  	[sflag:s6] =	ssyncadd.s32 s4;
	_ =	sdelay $0x1  }
0xa1: {  	s23 =	simm.s32 $0x1B8B  }
0xa2: {  	_ =	swait.ge [sflag:s23], $0x1  }
0xa3: {  	[sflag:s23] =	ssyncset.done $0x0  }
0xa4: {  	[sflag:s23] =	ssyncadd.s32 $0xFFFFFFFF  }
0xa5: {  	s4 =	sld [smem:$0x0]  }
0xa6: {  	s5 =	sand.u32 $0xFFFFFFFE, s1  }
0xa7: {  	p0 =	sne.s32 s1, s5  }
0xa8: {  	s5 =	sshll.u32 @p0 s5, $0xE  }
0xa9: {  	s5 =	sadd.s32 @p0 $0x11B8D, s5;
	s6 =	sshll.u32 @p0 s4, $0x11  }
0xaa: {  	s5 =	sor.u32 @p0 s6, s5  }
0xab: {  	[sflag:s5] =	ssyncadd.remote.s32 @p0 $0x1;
	_ =	sdelay $0x1  }
0xac: {  	s5 =	simm.s32 @p0 $0x1B8D  }
0xad: {  	_ =	swait.eq @p0 [sflag:s5], $0x1  }
0xae: {  	[sflag:s5] =	ssyncadd.s32 @p0 $0xFFFFFFFF  }
0xaf: {  	s6 =	sshll.u32 @!p0 s1, $0xE  }
0xb0: {  	s6 =	sor.u32 @!p0 $0x4000, s6;
	s5 =	simm.s32 @!p0 $0x1B8D  }
0xb1: {  	s4 =	sshll.u32 @!p0 s4, $0x11;
	s6 =	sadd.s32 @!p0 $0x11B8D, s6;
	_ =	swait.eq @!p0 [sflag:s5], $0x1  }
0xb2: {  	s4 =	sor.u32 @!p0 s4, s6;
	[sflag:s5] =	ssyncadd.s32 @!p0 $0xFFFFFFFF  }
0xb3: {  	s25 =	simm.s32 $0x1B8E;
	s24 =	sld [smem:$0x3FFE];
	[sflag:s4] =	ssyncadd.remote.s32 @!p0 $0x1  }
0xb4: {  	s26 =	simm.s32 $execute0_lowered;
	[smem:$0x3FD2] =	sst s25  }
0xb5: {  	s5 =	sshll.u32 s26, $0x1;
	_ =	strace $0x80000049;
	[dreg:$0x1] =	wrdreg $0xFFFFFFFF  }
0xb6: {  	s28 =	simm.s32 $_size_execute0_lowered;
	s3 =	sadd.s32 s3, s5;
	[dreg:$0x0] =	wrdreg $0x0  }
0xb7: {  	s5 =	sshll.u32 s28, $0x1;
	[dreg:$0x2] =	wrdreg s3  }
0xb8: {  	[dreg:$0x3] =	wrdreg s5  }
0xb9: {  	[dreg:$0x4] =	wrdreg $0xC0  }
0xba: {  	_ =	task [dreg:s22], $0x5FFFF  }
0xbb: {  	[dreg:$0x1] =	wrdreg $0xFFFFFFFF  }
0xbc: {  	[dreg:$0x0] =	wrdreg $0x60  }
0xbd: {  	[dreg:$0x2] =	wrdreg s24  }
0xbe: {  	[dreg:$0x3] =	wrdreg $0xA  }
0xbf: {  	_ =	task.clear_ibuf [dreg:s22], $0x4FFFF;
	_ =	strace $0x90000049  }
0xc0: {  	s29 =	simm.s32 $0xA;
	_ =	strace $0x8000004B  }
0xc1: {  	_ =	swait.ge [sflag:s29], $0x1  }
0xc2: {  	[sflag:s29] =	ssyncadd.s32 $0xFFFFFFFF  }
0xc3: {  	_ =	strace $0x9000004B  }
0xc4: {  	_ =	sfence  }
0xc5: {  	s30 =	sld [smem:$0x0];
	_ =	sdelay $0x2  }
0xc6: {  	s31 =	sshll.u32 s1, $0xD;
	s1 =	sshrl.u32 s1, $0x2  }
0xc7: {  	s4 =	sand.u32 $0x4000, s31;
	s1 =	sadd.s32 s1, s30  }
0xc8: {  	s0 =	sor.u32 s4, s0;
	s1 =	sshll.u32 s1, $0x11  }
0xc9: {  	s0 =	sor.u32 s1, s0  }
0xca: {  	s0 =	sadd.s32 $0x8F2B, s0  }
0xcb: {  	[sflag:s0] =	ssyncadd.remote.s32 $0x1  }
0xcc: {  	_ =	sfence.sel $0xFFFF  }
0xcd: {  	[dreg:$0x0] =	wrdreg $0xFFFFFFFF;
	(pc) =	sbr.abs _section_cstart, $3  }
0xce: {  	[dreg:$0x1] =	wrdreg $0xFFFFFFFF  }
0xcf: {  	_ =	task.clear_ibuf [dreg:s22], $0x2FFFF;
	_ =	strace $0x9FFFFFFF  }
0xd0: {  	(tm) =	ssettm $0x7FFFFFFF  }
0xd1: {  	_ =	shalt  }
tec
execute0_lowered:
.L_overlay_start_1:
0x0: {  	(tag) =	ssettag $0x1  }
0x1: {  	s1 =	srdreg.scid;
	s0 =	stileid.u32  }
0x2: {  	s4 =	rddreg [dreg:$0x0];
	s2 =	simm.s32 $0x0;
	s10 =	simm.s32 $0x1  }
0x3: {  	s11 =	simm.s32 $0x38;
	s3 =	sand.u32 $0x1, s1;
	s1 =	rddreg [dreg:$0x1]  }
0x4: {  	s12 =	simm.s32 $0x0;
	s31 =	sshll.u32 s0, $0x1;
	[smem:$0x7FF] =	sst s2  }
0x5: {  	s6 =	smul.u32 $0x32000, s0;
	s5 =	sor.u32 s3, s31;
	_ =	strace $0x8000004A  }
0x6: {  	s7 =	ssub.s32 $0x2, s3;
	s8 =	smul.u32 $0x19000, s3;
	s3 =	sadd.s32 $0x342800, s4  }
0x7: {  	s5 =	smul.u32 $0x320, s5;
	s6 =	sadd.s32 s6, s4;
	s9 =	sshrl.u32 s7, $0x1  }
0x8: {  	s7 =	ssub.s32 s7, s9;
	s6 =	sadd.s32 s8, s6;
	s8 =	simm.s32 $0x80  }
0x9: {  	s9 =	simm.s32 $0x1900;
	s5 =	sadd.s32 s5, s4;
	s6 =	sadd.s32 $0x406800, s6  }
0xa: {  	s4 =	sadd.s32 $0x9800, s5;
	s5 =	smax.u32 s7, $0x1;
	s7 =	simm.s32 $0x2  }
.LBB2_1:
0xb: {  	[tilespmem:s2], [sflag:$0x2] =	stream.linear.gather [hbm4b:s4+s2], $0x1900, $0x38;
	[tilespmem:$0x5100] =	vst v63  }
0xc: {  	s13 =	simm.s32 $0x0  }
0xd: {  	_ =	swait.ge [sflag:s7], $0x1900;
	s13 =	sand.u32 $0x1, s13  }
0xe: {  	[sflag:s7] =	ssyncset.done $0x0;
	s14 =	sxor.u32 $0x1, s13  }
0xf: {  	s15 =	smin.u32 s10, $0x31;
	[sflag:s7] =	ssyncadd.s32 $0xFFFFE700;
	s14 =	smul.u32 $0x7000, s14  }
0x10: {  	[tilespmem:s9], [sflag:$0x1] =	stream.indirect.gather [hbm4b:s3+s8], $0x38, s2, s8, $0xb8;
	[tilespmem:$0x5100] =	vst v63  }
0x11: {  	s16 =	simm.s32 $0x3;
	s13 =	smul.u32 $0x7000, s13;
	_ =	swait.ge [sflag:s10], $0x1C00  }
0x12: {  	s15 =	sshll.u32 s15, $0x7;
	s14 =	sshrl.u32 s14, $0x2;
	[sflag:s10] =	ssyncset.done $0x0  }
0x13: {  	s13 =	sshrl.u32 s13, $0x2;
	s14 =	sadd.s32 $0x1900, s14;
	[sflag:s10] =	ssyncadd.s32 $0xFFFFE400  }
0x14: {  	[tilespmem:s14], [sflag:$0x1] =	stream.indirect.gather [hbm4b:s3+s8], $0x38, s15, s8, $0xb8;
	[tilespmem:$0x5100] =	vst v63  }
0x15: {  	s31 =	simm.s32 $0x1;
	s13 =	sadd.s32 $0x1900, s13;
	s14 =	simm.s32 $0x2  }
0x16: {  	[hbm4b:s6+s11] =	stream.strided.scatter [tilespmem:s13], [sflag:$0x2], $0x1C00, s8, s11, $0x38;
	[tilespmem:$0x5100] =	vst v63  }
0x17: {  	s15 =	sand.u32 $0x1, s31;
	s13 =	sadd.s32 $0x800, s6;
	_ =	swait.ge [sflag:s7], $0x1C00  }
.LBB2_2:
0x18: {  	s17 =	sxor.u32 $0x1, s15  }
0x19: {  	[sflag:s7] =	ssyncset.done $0x0;
	s18 =	smov.u32 s16;
	s19 =	sadd.s32 $0x1, s16  }
0x1a: {  	p0 =	sne.s32 s16, $0x32;
	s16 =	smul.u32 $0x7000, s17;
	[sflag:s7] =	ssyncadd.s32 $0xFFFFE400  }
0x1b: {  	s17 =	smin.u32 s14, $0x31;
	s14 =	smov.u32 s18;
	_ =	swait.ge [sflag:s10], $0x1C00  }
0x1c: {  	s15 =	smul.u32 $0x7000, s15;
	[sflag:s10] =	ssyncset.done $0x0;
	s16 =	sshrl.u32 s16, $0x2  }
0x1d: {  	s17 =	sshll.u32 s17, $0x7;
	[sflag:s10] =	ssyncadd.s32 $0xFFFFE400;
	s16 =	sadd.s32 $0x1900, s16  }
0x1e: {  	[tilespmem:s16], [sflag:$0x1] =	stream.indirect.gather [hbm4b:s3+s8], $0x38, s17, s8, $0xb8;
	[tilespmem:$0x5100] =	vst v63  }
.Ltmp0:
0x1f: {  	s15 =	sshrl.u32 s15, $0x2;
	(pc) =	sbr.rel @p0 .LBB2_2-.Ltmp0, $4  }
0x20: {  	s15 =	sadd.s32 $0x1900, s15;
	s16 =	sadd.s32 $0xFFFFFFFF, s14  }
0x21: {  	[hbm4b:s13+s11] =	stream.strided.scatter [tilespmem:s15], [sflag:$0x2], $0x1C00, s8, s11, $0x38;
	[tilespmem:$0x5100] =	vst v63  }
0x22: {  	s15 =	sand.u32 $0x1, s16  }
0x23: {  	s13 =	sadd.s32 $0x800, s13;
	s16 =	smov.u32 s19;
	_ =	swait.ge [sflag:s7], $0x1C00  }
0x24: {  	s16 =	sxor.u32 $0x1, s15;
	[sflag:s7] =	ssyncset.done $0x0  }
0x25: {  	s16 =	smul.u32 $0x7000, s16;
	[sflag:s7] =	ssyncadd.s32 $0xFFFFE400  }
0x26: {  	s14 =	smin.u32 s14, $0x31;
	s30 =	smul.u32 $0x7000, s15;
	_ =	swait.ge [sflag:s10], $0x1C00  }
0x27: {  	s14 =	sshll.u32 s14, $0x7;
	[sflag:s10] =	ssyncset.done $0x0;
	s16 =	sshrl.u32 s16, $0x2  }
0x28: {  	s31 =	sshrl.u32 s30, $0x2;
	[sflag:s10] =	ssyncadd.s32 $0xFFFFE400;
	s16 =	sadd.s32 $0x1900, s16  }
0x29: {  	[tilespmem:s16], [sflag:$0x1] =	stream.indirect.gather [hbm4b:s3+s8], $0x38, s14, s8, $0xb8;
	[tilespmem:$0x5100] =	vst v63  }
0x2a: {  	s12 =	sadd.s32 $0x1, s12;
	s14 =	sadd.s32 $0x1900, s31  }
0x2b: {  	[hbm4b:s13+s11] =	stream.strided.scatter [tilespmem:s14], [sflag:$0x2], $0x1C00, s8, s11, $0x38;
	[tilespmem:$0x5100] =	vst v63  }
0x2c: {  	p0 =	sne.s32 s12, s5;
	_ =	swait.ge [sflag:s7], $0x1C00  }
.Ltmp1:
0x2d: {  	[sflag:s7] =	ssyncset.done $0x0;
	(pc) =	sbr.rel @p0 .LBB2_1-.Ltmp1, $4  }
0x2e: {  	[sflag:s7] =	ssyncadd.s32 $0xFFFFE400  }
0x2f: {  	_ =	swait.ge [sflag:s10], $0x1C00  }
0x30: {  	[sflag:s10] =	ssyncset.done $0x0  }
0x31: {  	[sflag:s10] =	ssyncadd.s32 $0xFFFFE400  }
0x32: {  	_ =	sfence.sel $0x180000  }
0x33: {  	[bflag:$0x0] =	sbarrier.arrive $0xFFFF  }
0x34: {  	p0 =	sne.s32 s0, $0x0;
	_ =	strace $0x9000004A  }
0x35: {  	s0 =	sadd.s32 @!p0 $0x100000, s1;
	[bflag:$0x2] =	sbarrier.arrive $0xFFFF  }
0x36: {  	[sflag:s0] =	ssyncadd.tile.s32 @!p0 $0x1;
	_ =	shalt  }
.Lfunc_end2:
_tile_overlayer_lowered:
.L_overlay_start_2:
0x37: {  	(tag) =	ssettag $0x2  }
0x38: {  	s0 =	rddreg [dreg:$0x0];
	s2 =	stileid.u32  }
0x39: {  	s1 =	rddreg [dreg:$0x1];
	p0 =	sne.s32 s2, $0x0  }
0x3a: {  	s3 =	rddreg [dreg:$0x2];
	[bflag:$0x3] =	sbarrier.arrive $0xFFFF;
	s2 =	simm.s32 @!p0 $0x1C02  }
0x3b: {  	[timem:s3], [sflag:s2] =	dma.local @!p0 [hbm:s0], s1  }
0x3c: {  	s0 =	simm.s32 @!p0 $0x2  }
0x3d: {  	_ =	swait.ge @!p0 [sflag:s0], s1  }
0x3e: {  	s1 =	ssub.s32 @!p0 $0x0, s1;
	[sflag:s0] =	ssyncset.done @!p0 $0x0  }
0x3f: {  	[sflag:s0] =	ssyncadd.s32 @!p0 s1  }
0x40: {  	[bflag:$0x3] =	sbarrier.arrive $0xFFFF  }
0x41: {  	_ =	shalt  }

// kernel: kernel.15.cloned.1.call-start
scs
__scs_entry_jumppad:
0x0: {  	(pc) =	sbr.rel $0x88, $3  }
0x1: {  	(tag) =	ssettag $0x0;
	lr =	simm.s32 $0x1  }
0x2: {  	[smem:$0x3F91] =	sst lr;
	_ =	strace $0xD0000000  }
0x3: {  	_ = 	snop  }
0x4: {  	_ = 	snop  }
0x5: {  	_ = 	snop  }
0x6: {  	_ = 	snop  }
0x7: {  	_ = 	snop  }
__scs_overlays_trampoline_lowered:
0x8: {  	[smem:$0x3FA0] =	sst s0  }
0x9: {  	[smem:$0x3FA1] =	sst s1  }
0xa: {  	[smem:$0x3FA2] =	sst s2  }
0xb: {  	[smem:$0x3FA3] =	sst s3  }
0xc: {  	[smem:$0x3FA4] =	sst s4  }
0xd: {  	[smem:$0x3FA5] =	sst s5  }
0xe: {  	[smem:$0x3FA6] =	sst s6  }
0xf: {  	[smem:$0x3FA7] =	sst s7  }
0x10: {  	[smem:$0x3FA8] =	sst s8  }
0x11: {  	[smem:$0x3FA9] =	sst s9;
	s0 =	simm.s32 @!p0 $0x0  }
0x12: {  	s1 =	sld [smem:$0x3F8F];
	s0 =	simm.s32 @p0 $0x1  }
0x13: {  	[smem:$0x3FAA] =	sst s0;
	s0 =	simm.s32 @!p1 $0x0  }
0x14: {  	s2 =	sld [smem:$0x3F8E];
	s0 =	simm.s32 @p1 $0x1  }
0x15: {  	[smem:$0x3FAB] =	sst s0;
	s0 =	simm.s32 @!p2 $0x0  }
0x16: {  	s3 =	sld [smem:$0x3FDB];
	s0 =	simm.s32 @p2 $0x1  }
0x17: {  	s4 =	simm.s32 $0x1BF5;
	[smem:$0x3FAD] =	sst s0  }
0x18: {  	s0 =	sld [smem:$0x3F90];
	_ =	swait.ge [sflag:s4], $0x0  }
0x19: {  	s7 =	sld [smem:$0x3F91]  }
0x1a: {  	s8 =	sadd.s32 $0xFFFFE003, lr  }
0x1b: {  	s9 =	sadd.s32 $0xFFFFFEF7, lr;
	s5 =	simm.s32 $0xFFFFFFFF;
	p2 =	slt.u32 s8, $0xFFFFF086  }
0x1c: {  	p1 =	slt.u32 s9, $0xF7A;
	s5 =	simm.s32 @!p2 $0x0  }
0x1d: {  	s5 =	simm.s32 @p1 $0x1;
	p0 =	seq.s32 s7, s2  }
0x1e: {  	s7 =	smul.u32 @!p0 $0xF7A, s2;
	p2 =	seq.s32 @!p0 s5, $0x0  }
0x1f: {  	s9 =	smul.u32 $0xF7A, s1;
	s8 =	simm.s32 @!p0 $0x1BF5;
	p2 =	por !p2, p0  }
0x20: {  	[sflag:s8] =	ssyncset.s32 @!p0 $0xFFFFF086;
	s6 =	sadd.s32 @!p0 s3, s7;
	s7 =	simm.s32 @!p0 $0x108  }
0x21: {  	s3 =	sadd.s32 s3, s9;
	s6 =	sadd.s32 @!p0 $0x88, s6;
	s7 =	simm.s32 @p2 $0x1082  }
0x22: {  	[simem:s7], [sflag:s8] =	dma.local @!p0 [hbm:s6], $0xF7A  }
0x23: {  	s9 =	sor.u32 $0xD0000000, s2;
	s6 =	simm.s32 $0x108;
	_ =	swait.ge @!p0 [sflag:s8], $0x0  }
0x24: {  	s3 =	sadd.s32 $0x88, s3;
	s6 =	simm.s32 @!p1 $0x1082;
	[sflag:s4] =	ssyncset.s32 $0xFFFFF086  }
0x25: {  	[simem:s6], [sflag:s4] =	dma.local [hbm:s3], $0xF7A  }
0x26: {  	[smem:$0x3F91] =	sst s1;
	(tag) =	ssettag s2;
	_ =	strace s9  }
0x27: {  	s1 =	sld [smem:$0x3FA1]  }
0x28: {  	s2 =	sld [smem:$0x3FA2]  }
0x29: {  	s4 =	sld [smem:$0x3FA4]  }
0x2a: {  	p0 =	seq.s32 s5, $0x0;
	s5 =	sld [smem:$0x3FA5]  }
0x2b: {  	s6 =	sld [smem:$0x3FA6]  }
0x2c: {  	s7 =	sld [smem:$0x3FA7]  }
0x2d: {  	s3 =	simm.s32 $0x108;
	s8 =	sld [smem:$0x3FA8]  }
0x2e: {  	s3 =	simm.s32 @!p0 $0x1082;
	s9 =	sld [smem:$0x3FA9]  }
0x2f: {  	lr =	sadd.s32 s0, s3;
	s0 =	sld [smem:$0x3FA0]  }
0x30: {  	s3 =	sld [smem:$0x3FA3]  }
0x31: {  	[smem:$0x3FAC] =	sst s10  }
0x32: {  	s10 =	sld [smem:$0x3FAA];
	_ =	sdelay $0x3  }
0x33: {  	p0 =	seq.s32 s10, $0x1;
	s10 =	sld [smem:$0x3FAC];
	_ =	sdelay $0x3  }
0x34: {  	[smem:$0x3FAC] =	sst s10  }
0x35: {  	s10 =	sld [smem:$0x3FAB];
	_ =	sdelay $0x3  }
0x36: {  	p1 =	seq.s32 s10, $0x1;
	s10 =	sld [smem:$0x3FAC];
	_ =	sdelay $0x3  }
0x37: {  	[smem:$0x3FAC] =	sst s10  }
0x38: {  	s10 =	sld [smem:$0x3FAD]  }
0x39: {  	_ = 	snop;
	(pc) =	sbr.ind lr, $3  }
0x3a: {  	_ = 	snop  }
0x3b: {  	_ = 	snop  }
0x3c: {  	p2 =	seq.s32 s10, $0x1;
	s10 =	sld [smem:$0x3FAC]  }
0x3d: {  	_ =	shalt  }
0x3e: {  	_ =	shalt  }
0x3f: {  	_ =	shalt  }
0x40: {  	_ =	shalt  }
0x41: {  	_ =	shalt  }
0x42: {  	_ =	shalt  }
0x43: {  	_ =	shalt  }
0x44: {  	_ =	shalt  }
0x45: {  	_ =	shalt  }
0x46: {  	_ =	shalt  }
0x47: {  	_ =	shalt  }
0x48: {  	_ =	shalt  }
0x49: {  	_ =	shalt  }
0x4a: {  	_ =	shalt  }
0x4b: {  	_ =	shalt  }
0x4c: {  	_ =	shalt  }
0x4d: {  	_ =	shalt  }
0x4e: {  	_ =	shalt  }
0x4f: {  	_ =	shalt  }
0x50: {  	_ =	shalt  }
0x51: {  	_ =	shalt  }
0x52: {  	_ =	shalt  }
0x53: {  	_ =	shalt  }
0x54: {  	_ =	shalt  }
0x55: {  	_ =	shalt  }
0x56: {  	_ =	shalt  }
0x57: {  	_ =	shalt  }
0x58: {  	_ =	shalt  }
0x59: {  	_ =	shalt  }
0x5a: {  	_ =	shalt  }
0x5b: {  	_ =	shalt  }
0x5c: {  	_ =	shalt  }
0x5d: {  	_ =	shalt  }
0x5e: {  	_ =	shalt  }
0x5f: {  	_ =	shalt  }
0x60: {  	_ =	shalt  }
0x61: {  	_ =	shalt  }
0x62: {  	_ =	shalt  }
0x63: {  	_ =	shalt  }
0x64: {  	_ =	shalt  }
0x65: {  	_ =	shalt  }
0x66: {  	_ =	shalt  }
0x67: {  	_ =	shalt  }
0x68: {  	_ =	shalt  }
0x69: {  	_ =	shalt  }
0x6a: {  	_ =	shalt  }
0x6b: {  	_ =	shalt  }
0x6c: {  	_ =	shalt  }
0x6d: {  	_ =	shalt  }
0x6e: {  	_ =	shalt  }
0x6f: {  	_ =	shalt  }
0x70: {  	_ =	shalt  }
0x71: {  	_ =	shalt  }
0x72: {  	_ =	shalt  }
0x73: {  	_ =	shalt  }
0x74: {  	_ =	shalt  }
0x75: {  	_ =	shalt  }
0x76: {  	_ =	shalt  }
0x77: {  	_ =	shalt  }
0x78: {  	_ =	shalt  }
0x79: {  	_ =	shalt  }
0x7a: {  	_ =	shalt  }
0x7b: {  	_ =	shalt  }
0x7c: {  	_ =	shalt  }
0x7d: {  	_ =	shalt  }
0x7e: {  	_ =	shalt  }
0x7f: {  	_ =	shalt  }
0x80: {  	_ =	shalt  }
0x81: {  	_ =	shalt  }
0x82: {  	_ =	shalt  }
0x83: {  	_ =	shalt  }
0x84: {  	_ =	shalt  }
0x85: {  	_ =	shalt  }
0x86: {  	_ =	shalt  }
0x87: {  	_ =	shalt  }
.Lfunc_end0:
.L_simem_size_0:
called_computation.3_lowered:
.L_overlay_start_0:
0x88: {  	s2 =	sld [smem:$0x3FD9]  }
0x89: {  	s3 =	sld [smem:$0x3FFE];
	_ =	sdelay $0x1  }
0x8a: {  	s1 =	srdreg.scid  }
0x8b: {  	s0 =	sand.u32 $0x1, s1  }
0x8c: {  	s17 =	sshll.u32 s0, $0xA;
	s2 =	sadd.s32 s3, s2  }
0x8d: {  	s2 =	sadd.s32 s2, s17  }
0x8e: {  	[smem:$0x3FB8] =	sst s2  }
0x8f: {  	_ = 	snop  }
0x90: {  	s18 =	sld [smem:$0x3FD0];
	(tm) =	ssettm $0x1  }
0x91: {  	s19 =	sld [smem:$0x3FFB];
	_ =	sdelay $0x3  }
0x92: {  	_ =	strace s19  }
0x93: {  	s2 =	sld [smem:$0x3FFC];
	_ =	sdelay $0x3  }
0x94: {  	_ =	strace s2  }
0x95: {  	s2 =	sld [smem:$0x3FFD];
	_ =	sdelay $0x3  }
0x96: {  	_ =	strace s2  }
0x97: {  	_ =	strace $0x8FFFFFFF  }
0x98: {  	s20 =	sld [smem:$0x3FDB];
	_ =	sdelay $0x1  }
0x99: {  	s4 =	simm.s32 $_scs_section_size  }
0x9a: {  	s5 =	simm.s32 $_size__tile_overlayer_lowered;
	s6 =	simm.s32 $_tile_overlayer_lowered  }
0x9b: {  	s7 =	simm.s32 $0x1BFF;
	s21 =	sshll.u32 s6, $0x1;
	s4 =	sadd.s32 s4, s20  }
0x9c: {  	s22 =	simm.s32 $0x0;
	s5 =	sshll.u32 s5, $0x1;
	s6 =	sadd.s32 s21, s4  }
0x9d: {  	[timem:s22], [sflag:s7] =	dma.local [hbm:s6], s5  }
0x9e: {  	_ =	swait.ge [sflag:s7], s5  }
0x9f: {  	s5 =	ssub.s32 $0x0, s5;
	[sflag:s7] =	ssyncset.done $0x0  }
0xa0: {  	[sflag:s7] =	ssyncadd.s32 s5;
	_ =	sdelay $0x1  }
0xa1: {  	s23 =	simm.s32 $0x1B8B  }
0xa2: {  	_ =	swait.ge [sflag:s23], $0x1  }
0xa3: {  	[sflag:s23] =	ssyncset.done $0x0  }
0xa4: {  	[sflag:s23] =	ssyncadd.s32 $0xFFFFFFFF  }
0xa5: {  	s5 =	sld [smem:$0x0]  }
0xa6: {  	s6 =	sand.u32 $0xFFFFFFFE, s1  }
0xa7: {  	p0 =	sne.s32 s1, s6  }
0xa8: {  	s6 =	sshll.u32 @p0 s6, $0xE  }
0xa9: {  	s6 =	sadd.s32 @p0 $0x11B8D, s6;
	s7 =	sshll.u32 @p0 s5, $0x11  }
0xaa: {  	s6 =	sor.u32 @p0 s7, s6  }
0xab: {  	[sflag:s6] =	ssyncadd.remote.s32 @p0 $0x1;
	_ =	sdelay $0x1  }
0xac: {  	s6 =	simm.s32 @p0 $0x1B8D  }
0xad: {  	_ =	swait.eq @p0 [sflag:s6], $0x1  }
0xae: {  	[sflag:s6] =	ssyncadd.s32 @p0 $0xFFFFFFFF  }
0xaf: {  	s7 =	sshll.u32 @!p0 s1, $0xE  }
0xb0: {  	s7 =	sor.u32 @!p0 $0x4000, s7;
	s6 =	simm.s32 @!p0 $0x1B8D  }
0xb1: {  	s5 =	sshll.u32 @!p0 s5, $0x11;
	s7 =	sadd.s32 @!p0 $0x11B8D, s7;
	_ =	swait.eq @!p0 [sflag:s6], $0x1  }
0xb2: {  	s5 =	sor.u32 @!p0 s5, s7;
	[sflag:s6] =	ssyncadd.s32 @!p0 $0xFFFFFFFF  }
0xb3: {  	s25 =	simm.s32 $0x1B8E;
	s24 =	sld [smem:$0x3FFE];
	[sflag:s5] =	ssyncadd.remote.s32 @!p0 $0x1  }
0xb4: {  	s26 =	simm.s32 $execute0_lowered;
	[smem:$0x3FD2] =	sst s25  }
0xb5: {  	s6 =	sshll.u32 s26, $0x1;
	_ =	strace $0x8000004C;
	[dreg:$0x1] =	wrdreg $0xFFFFFFFF  }
0xb6: {  	s28 =	simm.s32 $_size_execute0_lowered;
	s4 =	sadd.s32 s4, s6;
	[dreg:$0x0] =	wrdreg $0x0  }
0xb7: {  	s6 =	sshll.u32 s28, $0x1;
	[dreg:$0x2] =	wrdreg s4  }
0xb8: {  	[dreg:$0x3] =	wrdreg s6  }
0xb9: {  	[dreg:$0x4] =	wrdreg $0xC0  }
0xba: {  	_ =	task [dreg:s22], $0x5FFFF  }
0xbb: {  	[dreg:$0x1] =	wrdreg $0xFFFFFFFF  }
0xbc: {  	[dreg:$0x0] =	wrdreg $0x60  }
0xbd: {  	[dreg:$0x2] =	wrdreg s24  }
0xbe: {  	[dreg:$0x3] =	wrdreg s18  }
0xbf: {  	[dreg:$0x4] =	wrdreg $0xB  }
0xc0: {  	_ =	task.clear_ibuf [dreg:s22], $0x5FFFF;
	_ =	strace $0x9000004C  }
0xc1: {  	s29 =	simm.s32 $0xB;
	_ =	strace $0x8000004E  }
0xc2: {  	_ =	swait.ge [sflag:s29], $0x1  }
0xc3: {  	[sflag:s29] =	ssyncadd.s32 $0xFFFFFFFF  }
0xc4: {  	_ =	strace $0x9000004E  }
0xc5: {  	_ =	sfence  }
0xc6: {  	s30 =	sld [smem:$0x0];
	_ =	sdelay $0x2  }
0xc7: {  	s31 =	sshll.u32 s1, $0xD;
	s1 =	sshrl.u32 s1, $0x2  }
0xc8: {  	s4 =	sand.u32 $0x4000, s31;
	s1 =	sadd.s32 s1, s30  }
0xc9: {  	s0 =	sor.u32 s4, s0;
	s1 =	sshll.u32 s1, $0x11  }
0xca: {  	s0 =	sor.u32 s1, s0  }
0xcb: {  	s0 =	sadd.s32 $0x8F2B, s0  }
0xcc: {  	[sflag:s0] =	ssyncadd.remote.s32 $0x1  }
0xcd: {  	_ =	sfence.sel $0xFFFF  }
0xce: {  	[dreg:$0x0] =	wrdreg $0xFFFFFFFF;
	(pc) =	sbr.abs _section_cstart, $3  }
0xcf: {  	[dreg:$0x1] =	wrdreg $0xFFFFFFFF  }
0xd0: {  	_ =	task.clear_ibuf [dreg:s22], $0x2FFFF;
	_ =	strace $0x9FFFFFFF  }
0xd1: {  	(tm) =	ssettm $0x7FFFFFFF  }
tec
execute0_lowered:
.L_overlay_start_1:
0x0: {  	(tag) =	ssettag $0x1  }
0x1: {  	s1 =	srdreg.scid;
	s5 =	rddreg [dreg:$0x0]  }
0x2: {  	s0 =	stileid.u32;
	s2 =	rddreg [dreg:$0x1];
	s3 =	simm.s32 $0x0  }
0x3: {  	s10 =	simm.s32 $0x1;
	s11 =	simm.s32 $0x38;
	s4 =	sand.u32 $0x1, s1  }
0x4: {  	s30 =	sshll.u32 s0, $0x1;
	s7 =	smul.u32 $0x32000, s0;
	[smem:$0x7FF] =	sst s3  }
0x5: {  	s1 =	sor.u32 s4, s30;
	s8 =	ssub.s32 $0x2, s4;
	s4 =	smul.u32 $0x19000, s4  }
0x6: {  	s12 =	simm.s32 $0x0;
	s6 =	smul.u32 $0x320, s1;
	s1 =	rddreg [dreg:$0x2]  }
0x7: {  	_ =	strace $0x8000004D;
	s7 =	sadd.s32 s7, s5;
	s9 =	sshrl.u32 s8, $0x1  }
0x8: {  	s31 =	ssub.s32 s8, s9;
	s7 =	sadd.s32 s4, s7;
	s8 =	simm.s32 $0x80  }
0x9: {  	s9 =	simm.s32 $0x1900;
	s5 =	sadd.s32 s6, s5;
	s6 =	sadd.s32 $0x726800, s7  }
0xa: {  	s7 =	simm.s32 $0x2;
	s4 =	sadd.s32 $0xFC00, s5;
	s5 =	smax.u32 s31, $0x1  }
.LBB2_1:
0xb: {  	[tilespmem:s3], [sflag:$0x2] =	stream.linear.gather [hbm4b:s4+s3], $0x1900, $0x38;
	[tilespmem:$0x5100] =	vst v63  }
0xc: {  	s13 =	simm.s32 $0x0  }
0xd: {  	_ =	swait.ge [sflag:s7], $0x1900;
	s13 =	sand.u32 $0x1, s13  }
0xe: {  	[sflag:s7] =	ssyncset.done $0x0;
	s14 =	sxor.u32 $0x1, s13  }
0xf: {  	s15 =	smin.u32 s10, $0x31;
	[sflag:s7] =	ssyncadd.s32 $0xFFFFE700;
	s14 =	smul.u32 $0x7000, s14  }
0x10: {  	[tilespmem:s9], [sflag:$0x1] =	stream.indirect.gather [hbm4b:s2+s8], $0x38, s3, s8, $0xb8;
	[tilespmem:$0x5100] =	vst v63  }
0x11: {  	s16 =	simm.s32 $0x3;
	s13 =	smul.u32 $0x7000, s13;
	_ =	swait.ge [sflag:s10], $0x1C00  }
0x12: {  	s15 =	sshll.u32 s15, $0x7;
	s14 =	sshrl.u32 s14, $0x2;
	[sflag:s10] =	ssyncset.done $0x0  }
0x13: {  	s13 =	sshrl.u32 s13, $0x2;
	s14 =	sadd.s32 $0x1900, s14;
	[sflag:s10] =	ssyncadd.s32 $0xFFFFE400  }
0x14: {  	[tilespmem:s14], [sflag:$0x1] =	stream.indirect.gather [hbm4b:s2+s8], $0x38, s15, s8, $0xb8;
	[tilespmem:$0x5100] =	vst v63  }
0x15: {  	s31 =	simm.s32 $0x1;
	s13 =	sadd.s32 $0x1900, s13;
	s14 =	simm.s32 $0x2  }
0x16: {  	[hbm4b:s6+s11] =	stream.strided.scatter [tilespmem:s13], [sflag:$0x2], $0x1C00, s8, s11, $0x38;
	[tilespmem:$0x5100] =	vst v63  }
0x17: {  	s15 =	sand.u32 $0x1, s31;
	s13 =	sadd.s32 $0x800, s6;
	_ =	swait.ge [sflag:s7], $0x1C00  }
.LBB2_2:
0x18: {  	s17 =	sxor.u32 $0x1, s15  }
0x19: {  	[sflag:s7] =	ssyncset.done $0x0;
	s18 =	smov.u32 s16;
	s19 =	sadd.s32 $0x1, s16  }
0x1a: {  	p0 =	sne.s32 s16, $0x32;
	s16 =	smul.u32 $0x7000, s17;
	[sflag:s7] =	ssyncadd.s32 $0xFFFFE400  }
0x1b: {  	s17 =	smin.u32 s14, $0x31;
	s14 =	smov.u32 s18;
	_ =	swait.ge [sflag:s10], $0x1C00  }
0x1c: {  	s15 =	smul.u32 $0x7000, s15;
	[sflag:s10] =	ssyncset.done $0x0;
	s16 =	sshrl.u32 s16, $0x2  }
0x1d: {  	s17 =	sshll.u32 s17, $0x7;
	[sflag:s10] =	ssyncadd.s32 $0xFFFFE400;
	s16 =	sadd.s32 $0x1900, s16  }
0x1e: {  	[tilespmem:s16], [sflag:$0x1] =	stream.indirect.gather [hbm4b:s2+s8], $0x38, s17, s8, $0xb8;
	[tilespmem:$0x5100] =	vst v63  }
.Ltmp0:
0x1f: {  	s15 =	sshrl.u32 s15, $0x2;
	(pc) =	sbr.rel @p0 .LBB2_2-.Ltmp0, $4  }
0x20: {  	s15 =	sadd.s32 $0x1900, s15;
	s16 =	sadd.s32 $0xFFFFFFFF, s14  }
0x21: {  	[hbm4b:s13+s11] =	stream.strided.scatter [tilespmem:s15], [sflag:$0x2], $0x1C00, s8, s11, $0x38;
	[tilespmem:$0x5100] =	vst v63  }
0x22: {  	s15 =	sand.u32 $0x1, s16  }
0x23: {  	s13 =	sadd.s32 $0x800, s13;
	s16 =	smov.u32 s19;
	_ =	swait.ge [sflag:s7], $0x1C00  }
0x24: {  	s16 =	sxor.u32 $0x1, s15;
	[sflag:s7] =	ssyncset.done $0x0  }
0x25: {  	s16 =	smul.u32 $0x7000, s16;
	[sflag:s7] =	ssyncadd.s32 $0xFFFFE400  }
0x26: {  	s14 =	smin.u32 s14, $0x31;
	s30 =	smul.u32 $0x7000, s15;
	_ =	swait.ge [sflag:s10], $0x1C00  }
0x27: {  	s14 =	sshll.u32 s14, $0x7;
	[sflag:s10] =	ssyncset.done $0x0;
	s16 =	sshrl.u32 s16, $0x2  }
0x28: {  	s31 =	sshrl.u32 s30, $0x2;
	[sflag:s10] =	ssyncadd.s32 $0xFFFFE400;
	s16 =	sadd.s32 $0x1900, s16  }
0x29: {  	[tilespmem:s16], [sflag:$0x1] =	stream.indirect.gather [hbm4b:s2+s8], $0x38, s14, s8, $0xb8;
	[tilespmem:$0x5100] =	vst v63  }
0x2a: {  	s12 =	sadd.s32 $0x1, s12;
	s14 =	sadd.s32 $0x1900, s31  }
0x2b: {  	[hbm4b:s13+s11] =	stream.strided.scatter [tilespmem:s14], [sflag:$0x2], $0x1C00, s8, s11, $0x38;
	[tilespmem:$0x5100] =	vst v63  }
0x2c: {  	p0 =	sne.s32 s12, s5;
	_ =	swait.ge [sflag:s7], $0x1C00  }
.Ltmp1:
0x2d: {  	[sflag:s7] =	ssyncset.done $0x0;
	(pc) =	sbr.rel @p0 .LBB2_1-.Ltmp1, $4  }
0x2e: {  	[sflag:s7] =	ssyncadd.s32 $0xFFFFE400  }
0x2f: {  	_ =	swait.ge [sflag:s10], $0x1C00  }
0x30: {  	[sflag:s10] =	ssyncset.done $0x0  }
0x31: {  	[sflag:s10] =	ssyncadd.s32 $0xFFFFE400  }
0x32: {  	_ =	sfence.sel $0x180000  }
0x33: {  	[bflag:$0x0] =	sbarrier.arrive $0xFFFF  }
0x34: {  	p0 =	sne.s32 s0, $0x0;
	_ =	strace $0x9000004D  }
0x35: {  	s0 =	sadd.s32 @!p0 $0x100000, s1;
	[bflag:$0x2] =	sbarrier.arrive $0xFFFF  }
0x36: {  	[sflag:s0] =	ssyncadd.tile.s32 @!p0 $0x1;
	_ =	shalt  }
.Lfunc_end2:
_tile_overlayer_lowered:
.L_overlay_start_2:
0x37: {  	(tag) =	ssettag $0x2  }
0x38: {  	s0 =	rddreg [dreg:$0x0];
	s2 =	stileid.u32  }
0x39: {  	s1 =	rddreg [dreg:$0x1];
	p0 =	sne.s32 s2, $0x0  }
0x3a: {  	s3 =	rddreg [dreg:$0x2];
	[bflag:$0x3] =	sbarrier.arrive $0xFFFF;
	s2 =	simm.s32 @!p0 $0x1C02  }
0x3b: {  	[timem:s3], [sflag:s2] =	dma.local @!p0 [hbm:s0], s1  }
0x3c: {  	s0 =	simm.s32 @!p0 $0x2  }
0x3d: {  	_ =	swait.ge @!p0 [sflag:s0], s1  }
0x3e: {  	s1 =	ssub.s32 @!p0 $0x0, s1;
	[sflag:s0] =	ssyncset.done @!p0 $0x0  }
0x3f: {  	[sflag:s0] =	ssyncadd.s32 @!p0 s1  }
0x40: {  	[bflag:$0x3] =	sbarrier.arrive $0xFFFF  }
0x41: {  	_ =	shalt  }

// kernel: kernel.9.cloned.1.call-start
scs
__scs_entry_jumppad:
0x0: {  	(pc) =	sbr.rel $0x88, $3  }
0x1: {  	(tag) =	ssettag $0x0;
	lr =	simm.s32 $0x1  }
0x2: {  	[smem:$0x3F91] =	sst lr;
	_ =	strace $0xD0000000  }
0x3: {  	_ = 	snop  }
0x4: {  	_ = 	snop  }
0x5: {  	_ = 	snop  }
0x6: {  	_ = 	snop  }
0x7: {  	_ = 	snop  }
__scs_overlays_trampoline_lowered:
0x8: {  	[smem:$0x3FA0] =	sst s0  }
0x9: {  	[smem:$0x3FA1] =	sst s1  }
0xa: {  	[smem:$0x3FA2] =	sst s2  }
0xb: {  	[smem:$0x3FA3] =	sst s3  }
0xc: {  	[smem:$0x3FA4] =	sst s4  }
0xd: {  	[smem:$0x3FA5] =	sst s5  }
0xe: {  	[smem:$0x3FA6] =	sst s6  }
0xf: {  	[smem:$0x3FA7] =	sst s7  }
0x10: {  	[smem:$0x3FA8] =	sst s8  }
0x11: {  	[smem:$0x3FA9] =	sst s9;
	s0 =	simm.s32 @!p0 $0x0  }
0x12: {  	s1 =	sld [smem:$0x3F8F];
	s0 =	simm.s32 @p0 $0x1  }
0x13: {  	[smem:$0x3FAA] =	sst s0;
	s0 =	simm.s32 @!p1 $0x0  }
0x14: {  	s2 =	sld [smem:$0x3F8E];
	s0 =	simm.s32 @p1 $0x1  }
0x15: {  	[smem:$0x3FAB] =	sst s0;
	s0 =	simm.s32 @!p2 $0x0  }
0x16: {  	s3 =	sld [smem:$0x3FDB];
	s0 =	simm.s32 @p2 $0x1  }
0x17: {  	s4 =	simm.s32 $0x1BF5;
	[smem:$0x3FAD] =	sst s0  }
0x18: {  	s0 =	sld [smem:$0x3F90];
	_ =	swait.ge [sflag:s4], $0x0  }
0x19: {  	s7 =	sld [smem:$0x3F91]  }
0x1a: {  	s8 =	sadd.s32 $0xFFFFE003, lr  }
0x1b: {  	s9 =	sadd.s32 $0xFFFFFEF7, lr;
	s5 =	simm.s32 $0xFFFFFFFF;
	p2 =	slt.u32 s8, $0xFFFFF086  }
0x1c: {  	p1 =	slt.u32 s9, $0xF7A;
	s5 =	simm.s32 @!p2 $0x0  }
0x1d: {  	s5 =	simm.s32 @p1 $0x1;
	p0 =	seq.s32 s7, s2  }
0x1e: {  	s7 =	smul.u32 @!p0 $0xF7A, s2;
	p2 =	seq.s32 @!p0 s5, $0x0  }
0x1f: {  	s9 =	smul.u32 $0xF7A, s1;
	s8 =	simm.s32 @!p0 $0x1BF5;
	p2 =	por !p2, p0  }
0x20: {  	[sflag:s8] =	ssyncset.s32 @!p0 $0xFFFFF086;
	s6 =	sadd.s32 @!p0 s3, s7;
	s7 =	simm.s32 @!p0 $0x108  }
0x21: {  	s3 =	sadd.s32 s3, s9;
	s6 =	sadd.s32 @!p0 $0x88, s6;
	s7 =	simm.s32 @p2 $0x1082  }
0x22: {  	[simem:s7], [sflag:s8] =	dma.local @!p0 [hbm:s6], $0xF7A  }
0x23: {  	s9 =	sor.u32 $0xD0000000, s2;
	s6 =	simm.s32 $0x108;
	_ =	swait.ge @!p0 [sflag:s8], $0x0  }
0x24: {  	s3 =	sadd.s32 $0x88, s3;
	s6 =	simm.s32 @!p1 $0x1082;
	[sflag:s4] =	ssyncset.s32 $0xFFFFF086  }
0x25: {  	[simem:s6], [sflag:s4] =	dma.local [hbm:s3], $0xF7A  }
0x26: {  	[smem:$0x3F91] =	sst s1;
	(tag) =	ssettag s2;
	_ =	strace s9  }
0x27: {  	s1 =	sld [smem:$0x3FA1]  }
0x28: {  	s2 =	sld [smem:$0x3FA2]  }
0x29: {  	s4 =	sld [smem:$0x3FA4]  }
0x2a: {  	p0 =	seq.s32 s5, $0x0;
	s5 =	sld [smem:$0x3FA5]  }
0x2b: {  	s6 =	sld [smem:$0x3FA6]  }
0x2c: {  	s7 =	sld [smem:$0x3FA7]  }
0x2d: {  	s3 =	simm.s32 $0x108;
	s8 =	sld [smem:$0x3FA8]  }
0x2e: {  	s3 =	simm.s32 @!p0 $0x1082;
	s9 =	sld [smem:$0x3FA9]  }
0x2f: {  	lr =	sadd.s32 s0, s3;
	s0 =	sld [smem:$0x3FA0]  }
0x30: {  	s3 =	sld [smem:$0x3FA3]  }
0x31: {  	[smem:$0x3FAC] =	sst s10  }
0x32: {  	s10 =	sld [smem:$0x3FAA];
	_ =	sdelay $0x3  }
0x33: {  	p0 =	seq.s32 s10, $0x1;
	s10 =	sld [smem:$0x3FAC];
	_ =	sdelay $0x3  }
0x34: {  	[smem:$0x3FAC] =	sst s10  }
0x35: {  	s10 =	sld [smem:$0x3FAB];
	_ =	sdelay $0x3  }
0x36: {  	p1 =	seq.s32 s10, $0x1;
	s10 =	sld [smem:$0x3FAC];
	_ =	sdelay $0x3  }
0x37: {  	[smem:$0x3FAC] =	sst s10  }
0x38: {  	s10 =	sld [smem:$0x3FAD]  }
0x39: {  	_ = 	snop;
	(pc) =	sbr.ind lr, $3  }
0x3a: {  	_ = 	snop  }
0x3b: {  	_ = 	snop  }
0x3c: {  	p2 =	seq.s32 s10, $0x1;
	s10 =	sld [smem:$0x3FAC]  }
0x3d: {  	_ =	shalt  }
0x3e: {  	_ =	shalt  }
0x3f: {  	_ =	shalt  }
0x40: {  	_ =	shalt  }
0x41: {  	_ =	shalt  }
0x42: {  	_ =	shalt  }
0x43: {  	_ =	shalt  }
0x44: {  	_ =	shalt  }
0x45: {  	_ =	shalt  }
0x46: {  	_ =	shalt  }
0x47: {  	_ =	shalt  }
0x48: {  	_ =	shalt  }
0x49: {  	_ =	shalt  }
0x4a: {  	_ =	shalt  }
0x4b: {  	_ =	shalt  }
0x4c: {  	_ =	shalt  }
0x4d: {  	_ =	shalt  }
0x4e: {  	_ =	shalt  }
0x4f: {  	_ =	shalt  }
0x50: {  	_ =	shalt  }
0x51: {  	_ =	shalt  }
0x52: {  	_ =	shalt  }
0x53: {  	_ =	shalt  }
0x54: {  	_ =	shalt  }
0x55: {  	_ =	shalt  }
0x56: {  	_ =	shalt  }
0x57: {  	_ =	shalt  }
0x58: {  	_ =	shalt  }
0x59: {  	_ =	shalt  }
0x5a: {  	_ =	shalt  }
0x5b: {  	_ =	shalt  }
0x5c: {  	_ =	shalt  }
0x5d: {  	_ =	shalt  }
0x5e: {  	_ =	shalt  }
0x5f: {  	_ =	shalt  }
0x60: {  	_ =	shalt  }
0x61: {  	_ =	shalt  }
0x62: {  	_ =	shalt  }
0x63: {  	_ =	shalt  }
0x64: {  	_ =	shalt  }
0x65: {  	_ =	shalt  }
0x66: {  	_ =	shalt  }
0x67: {  	_ =	shalt  }
0x68: {  	_ =	shalt  }
0x69: {  	_ =	shalt  }
0x6a: {  	_ =	shalt  }
0x6b: {  	_ =	shalt  }
0x6c: {  	_ =	shalt  }
0x6d: {  	_ =	shalt  }
0x6e: {  	_ =	shalt  }
0x6f: {  	_ =	shalt  }
0x70: {  	_ =	shalt  }
0x71: {  	_ =	shalt  }
0x72: {  	_ =	shalt  }
0x73: {  	_ =	shalt  }
0x74: {  	_ =	shalt  }
0x75: {  	_ =	shalt  }
0x76: {  	_ =	shalt  }
0x77: {  	_ =	shalt  }
0x78: {  	_ =	shalt  }
0x79: {  	_ =	shalt  }
0x7a: {  	_ =	shalt  }
0x7b: {  	_ =	shalt  }
0x7c: {  	_ =	shalt  }
0x7d: {  	_ =	shalt  }
0x7e: {  	_ =	shalt  }
0x7f: {  	_ =	shalt  }
0x80: {  	_ =	shalt  }
0x81: {  	_ =	shalt  }
0x82: {  	_ =	shalt  }
0x83: {  	_ =	shalt  }
0x84: {  	_ =	shalt  }
0x85: {  	_ =	shalt  }
0x86: {  	_ =	shalt  }
0x87: {  	_ =	shalt  }
.Lfunc_end0:
.L_simem_size_0:
called_computation.1_lowered:
.L_overlay_start_0:
0x88: {  	s2 =	sld [smem:$0x3FD9]  }
0x89: {  	s3 =	sld [smem:$0x3FFE];
	_ =	sdelay $0x1  }
0x8a: {  	s1 =	srdreg.scid  }
0x8b: {  	s0 =	sand.u32 $0x1, s1  }
0x8c: {  	s16 =	sshll.u32 s0, $0xA;
	s2 =	sadd.s32 s3, s2  }
0x8d: {  	s2 =	sadd.s32 s2, s16  }
0x8e: {  	[smem:$0x3FB8] =	sst s2  }
0x8f: {  	_ = 	snop  }
0x90: {  	(tm) =	ssettm $0x1  }
0x91: {  	s17 =	sld [smem:$0x3FFB];
	_ =	sdelay $0x3  }
0x92: {  	_ =	strace s17  }
0x93: {  	s2 =	sld [smem:$0x3FFC];
	_ =	sdelay $0x3  }
0x94: {  	_ =	strace s2  }
0x95: {  	s2 =	sld [smem:$0x3FFD];
	_ =	sdelay $0x3  }
0x96: {  	_ =	strace s2  }
0x97: {  	_ =	strace $0x8FFFFFFF  }
0x98: {  	s18 =	sld [smem:$0x3FDB];
	_ =	sdelay $0x1  }
0x99: {  	s19 =	simm.s32 $_scs_section_size  }
0x9a: {  	s4 =	simm.s32 $_size__tile_overlayer_lowered;
	s5 =	simm.s32 $_tile_overlayer_lowered  }
0x9b: {  	s22 =	simm.s32 $0x1BFF;
	s21 =	sshll.u32 s5, $0x1;
	s2 =	sadd.s32 s19, s18  }
0x9c: {  	s6 =	simm.s32 $0x0;
	s20 =	sshll.u32 s4, $0x1;
	s4 =	sadd.s32 s21, s2  }
0x9d: {  	[timem:s6], [sflag:s22] =	dma.local [hbm:s4], s20  }
0x9e: {  	_ =	swait.ge [sflag:s22], s20  }
0x9f: {  	s3 =	ssub.s32 $0x0, s20;
	[sflag:s22] =	ssyncset.done $0x0  }
0xa0: {  	[sflag:s22] =	ssyncadd.s32 s3;
	_ =	sdelay $0x1  }
0xa1: {  	s23 =	simm.s32 $0x1B8B  }
0xa2: {  	_ =	swait.ge [sflag:s23], $0x1  }
0xa3: {  	[sflag:s23] =	ssyncset.done $0x0  }
0xa4: {  	s25 =	simm.s32 $0x1B8E;
	s24 =	sld [smem:$0x3FFE];
	[sflag:s23] =	ssyncadd.s32 $0xFFFFFFFF  }
0xa5: {  	s26 =	simm.s32 $execute0_lowered;
	[smem:$0x3FD2] =	sst s25  }
0xa6: {  	s4 =	sshll.u32 s26, $0x1;
	_ =	strace $0x80000046;
	[dreg:$0x1] =	wrdreg $0xFFFFFFFF  }
0xa7: {  	s28 =	simm.s32 $_size_execute0_lowered;
	s2 =	sadd.s32 s2, s4;
	[dreg:$0x0] =	wrdreg $0x0  }
0xa8: {  	s4 =	sshll.u32 s28, $0x1;
	[dreg:$0x2] =	wrdreg s2  }
0xa9: {  	[dreg:$0x3] =	wrdreg s4  }
0xaa: {  	[dreg:$0x4] =	wrdreg $0xC0  }
0xab: {  	_ =	task [dreg:s6], $0x5FFFF  }
0xac: {  	[dreg:$0x1] =	wrdreg $0xFFFFFFFF  }
0xad: {  	[dreg:$0x0] =	wrdreg $0x60  }
0xae: {  	[dreg:$0x2] =	wrdreg s24  }
0xaf: {  	[dreg:$0x3] =	wrdreg $0x9  }
0xb0: {  	_ =	task.clear_ibuf [dreg:s6], $0x4FFFF;
	_ =	strace $0x90000046  }
0xb1: {  	s29 =	simm.s32 $0x9;
	_ =	strace $0x80000048  }
0xb2: {  	_ =	swait.ge [sflag:s29], $0x1  }
0xb3: {  	[sflag:s29] =	ssyncadd.s32 $0xFFFFFFFF  }
0xb4: {  	_ =	strace $0x90000048  }
0xb5: {  	_ =	sfence  }
0xb6: {  	s30 =	sld [smem:$0x0];
	_ =	sdelay $0x2  }
0xb7: {  	s31 =	sshll.u32 s1, $0xD;
	s1 =	sshrl.u32 s1, $0x2  }
0xb8: {  	s3 =	sand.u32 $0x4000, s31;
	s1 =	sadd.s32 s1, s30  }
0xb9: {  	s0 =	sor.u32 s3, s0;
	s1 =	sshll.u32 s1, $0x11  }
0xba: {  	s0 =	sor.u32 s1, s0  }
0xbb: {  	s0 =	sadd.s32 $0x8F2B, s0  }
0xbc: {  	[sflag:s0] =	ssyncadd.remote.s32 $0x1  }
0xbd: {  	_ =	sfence.sel $0xFFFF  }
0xbe: {  	[dreg:$0x0] =	wrdreg $0xFFFFFFFF;
	(pc) =	sbr.abs _section_cstart, $3  }
0xbf: {  	[dreg:$0x1] =	wrdreg $0xFFFFFFFF  }
0xc0: {  	_ =	task.clear_ibuf [dreg:s6], $0x2FFFF;
	_ =	strace $0x9FFFFFFF  }
0xc1: {  	(tm) =	ssettm $0x7FFFFFFF  }
tec
execute0_lowered:
.L_overlay_start_1:
0x0: {  	(tag) =	ssettag $0x1  }
0x1: {  	s1 =	srdreg.scid;
	s0 =	stileid.u32  }
0x2: {  	s4 =	rddreg [dreg:$0x0];
	s2 =	simm.s32 $0x0;
	s10 =	simm.s32 $0x1  }
0x3: {  	s11 =	simm.s32 $0x38;
	s3 =	sand.u32 $0x1, s1;
	s1 =	rddreg [dreg:$0x1]  }
0x4: {  	s12 =	simm.s32 $0x0;
	s31 =	sshll.u32 s0, $0x1;
	[smem:$0x7FF] =	sst s2  }
0x5: {  	s6 =	smul.u32 $0x32000, s0;
	s5 =	sor.u32 s3, s31;
	_ =	strace $0x80000047  }
0x6: {  	s7 =	ssub.s32 $0x2, s3;
	s8 =	smul.u32 $0x19000, s3;
	s3 =	sadd.s32 $0xFA2800, s4  }
0x7: {  	s5 =	smul.u32 $0x320, s5;
	s6 =	sadd.s32 s6, s4;
	s9 =	sshrl.u32 s7, $0x1  }
0x8: {  	s7 =	ssub.s32 s7, s9;
	s6 =	sadd.s32 s8, s6;
	s8 =	simm.s32 $0x80  }
0x9: {  	s9 =	simm.s32 $0x1900;
	s5 =	sadd.s32 s5, s4;
	s6 =	sadd.s32 $0x22800, s6  }
0xa: {  	s4 =	sadd.s32 $0x3400, s5;
	s5 =	smax.u32 s7, $0x1;
	s7 =	simm.s32 $0x2  }
.LBB2_1:
0xb: {  	[tilespmem:s2], [sflag:$0x2] =	stream.linear.gather [hbm4b:s4+s2], $0x1900, $0x38;
	[tilespmem:$0x5100] =	vst v63  }
0xc: {  	s13 =	simm.s32 $0x0  }
0xd: {  	_ =	swait.ge [sflag:s7], $0x1900;
	s13 =	sand.u32 $0x1, s13  }
0xe: {  	[sflag:s7] =	ssyncset.done $0x0;
	s14 =	sxor.u32 $0x1, s13  }
0xf: {  	s15 =	smin.u32 s10, $0x31;
	[sflag:s7] =	ssyncadd.s32 $0xFFFFE700;
	s14 =	smul.u32 $0x7000, s14  }
0x10: {  	[tilespmem:s9], [sflag:$0x1] =	stream.indirect.gather [hbm4b:s3+s8], $0x38, s2, s8, $0xb8;
	[tilespmem:$0x5100] =	vst v63  }
0x11: {  	s16 =	simm.s32 $0x3;
	s13 =	smul.u32 $0x7000, s13;
	_ =	swait.ge [sflag:s10], $0x1C00  }
0x12: {  	s15 =	sshll.u32 s15, $0x7;
	s14 =	sshrl.u32 s14, $0x2;
	[sflag:s10] =	ssyncset.done $0x0  }
0x13: {  	s13 =	sshrl.u32 s13, $0x2;
	s14 =	sadd.s32 $0x1900, s14;
	[sflag:s10] =	ssyncadd.s32 $0xFFFFE400  }
0x14: {  	[tilespmem:s14], [sflag:$0x1] =	stream.indirect.gather [hbm4b:s3+s8], $0x38, s15, s8, $0xb8;
	[tilespmem:$0x5100] =	vst v63  }
0x15: {  	s31 =	simm.s32 $0x1;
	s13 =	sadd.s32 $0x1900, s13;
	s14 =	simm.s32 $0x2  }
0x16: {  	[hbm4b:s6+s11] =	stream.strided.scatter [tilespmem:s13], [sflag:$0x2], $0x1C00, s8, s11, $0x38;
	[tilespmem:$0x5100] =	vst v63  }
0x17: {  	s15 =	sand.u32 $0x1, s31;
	s13 =	sadd.s32 $0x800, s6;
	_ =	swait.ge [sflag:s7], $0x1C00  }
.LBB2_2:
0x18: {  	s17 =	sxor.u32 $0x1, s15  }
0x19: {  	[sflag:s7] =	ssyncset.done $0x0;
	s18 =	smov.u32 s16;
	s19 =	sadd.s32 $0x1, s16  }
0x1a: {  	p0 =	sne.s32 s16, $0x32;
	s16 =	smul.u32 $0x7000, s17;
	[sflag:s7] =	ssyncadd.s32 $0xFFFFE400  }
0x1b: {  	s17 =	smin.u32 s14, $0x31;
	s14 =	smov.u32 s18;
	_ =	swait.ge [sflag:s10], $0x1C00  }
0x1c: {  	s15 =	smul.u32 $0x7000, s15;
	[sflag:s10] =	ssyncset.done $0x0;
	s16 =	sshrl.u32 s16, $0x2  }
0x1d: {  	s17 =	sshll.u32 s17, $0x7;
	[sflag:s10] =	ssyncadd.s32 $0xFFFFE400;
	s16 =	sadd.s32 $0x1900, s16  }
0x1e: {  	[tilespmem:s16], [sflag:$0x1] =	stream.indirect.gather [hbm4b:s3+s8], $0x38, s17, s8, $0xb8;
	[tilespmem:$0x5100] =	vst v63  }
.Ltmp0:
0x1f: {  	s15 =	sshrl.u32 s15, $0x2;
	(pc) =	sbr.rel @p0 .LBB2_2-.Ltmp0, $4  }
0x20: {  	s15 =	sadd.s32 $0x1900, s15;
	s16 =	sadd.s32 $0xFFFFFFFF, s14  }
0x21: {  	[hbm4b:s13+s11] =	stream.strided.scatter [tilespmem:s15], [sflag:$0x2], $0x1C00, s8, s11, $0x38;
	[tilespmem:$0x5100] =	vst v63  }
0x22: {  	s15 =	sand.u32 $0x1, s16  }
0x23: {  	s13 =	sadd.s32 $0x800, s13;
	s16 =	smov.u32 s19;
	_ =	swait.ge [sflag:s7], $0x1C00  }
0x24: {  	s16 =	sxor.u32 $0x1, s15;
	[sflag:s7] =	ssyncset.done $0x0  }
0x25: {  	s16 =	smul.u32 $0x7000, s16;
	[sflag:s7] =	ssyncadd.s32 $0xFFFFE400  }
0x26: {  	s14 =	smin.u32 s14, $0x31;
	s30 =	smul.u32 $0x7000, s15;
	_ =	swait.ge [sflag:s10], $0x1C00  }
0x27: {  	s14 =	sshll.u32 s14, $0x7;
	[sflag:s10] =	ssyncset.done $0x0;
	s16 =	sshrl.u32 s16, $0x2  }
0x28: {  	s31 =	sshrl.u32 s30, $0x2;
	[sflag:s10] =	ssyncadd.s32 $0xFFFFE400;
	s16 =	sadd.s32 $0x1900, s16  }
0x29: {  	[tilespmem:s16], [sflag:$0x1] =	stream.indirect.gather [hbm4b:s3+s8], $0x38, s14, s8, $0xb8;
	[tilespmem:$0x5100] =	vst v63  }
0x2a: {  	s12 =	sadd.s32 $0x1, s12;
	s14 =	sadd.s32 $0x1900, s31  }
0x2b: {  	[hbm4b:s13+s11] =	stream.strided.scatter [tilespmem:s14], [sflag:$0x2], $0x1C00, s8, s11, $0x38;
	[tilespmem:$0x5100] =	vst v63  }
0x2c: {  	p0 =	sne.s32 s12, s5;
	_ =	swait.ge [sflag:s7], $0x1C00  }
.Ltmp1:
0x2d: {  	[sflag:s7] =	ssyncset.done $0x0;
	(pc) =	sbr.rel @p0 .LBB2_1-.Ltmp1, $4  }
0x2e: {  	[sflag:s7] =	ssyncadd.s32 $0xFFFFE400  }
0x2f: {  	_ =	swait.ge [sflag:s10], $0x1C00  }
0x30: {  	[sflag:s10] =	ssyncset.done $0x0  }
0x31: {  	[sflag:s10] =	ssyncadd.s32 $0xFFFFE400  }
0x32: {  	_ =	sfence.sel $0x180000  }
0x33: {  	[bflag:$0x0] =	sbarrier.arrive $0xFFFF  }
0x34: {  	p0 =	sne.s32 s0, $0x0;
	_ =	strace $0x90000047  }
0x35: {  	s0 =	sadd.s32 @!p0 $0x100000, s1;
	[bflag:$0x2] =	sbarrier.arrive $0xFFFF  }
0x36: {  	[sflag:s0] =	ssyncadd.tile.s32 @!p0 $0x1;
	_ =	shalt  }
.Lfunc_end2:
_tile_overlayer_lowered:
.L_overlay_start_2:
0x37: {  	(tag) =	ssettag $0x2  }
0x38: {  	s0 =	rddreg [dreg:$0x0];
	s2 =	stileid.u32  }
0x39: {  	s1 =	rddreg [dreg:$0x1];
	p0 =	sne.s32 s2, $0x0  }
0x3a: {  	s3 =	rddreg [dreg:$0x2];
	[bflag:$0x3] =	sbarrier.arrive $0xFFFF;
	s2 =	simm.s32 @!p0 $0x1C02  }
0x3b: {  	[timem:s3], [sflag:s2] =	dma.local @!p0 [hbm:s0], s1  }
0x3c: {  	s0 =	simm.s32 @!p0 $0x2  }
0x3d: {  	_ =	swait.ge @!p0 [sflag:s0], s1  }
0x3e: {  	s1 =	ssub.s32 @!p0 $0x0, s1;
	[sflag:s0] =	ssyncset.done @!p0 $0x0  }
0x3f: {  	[sflag:s0] =	ssyncadd.s32 @!p0 s1  }
0x40: {  	[bflag:$0x3] =	sbarrier.arrive $0xFFFF  }
0x41: {  	_ =	shalt  }

// kernel: sparse-core-data-format-call.cloned.1.call-start
scs
called_computation_lowered:
.L_overlay_start_0:
0x0: {  	s2 =	sld [smem:$0x3FD9]  }
0x1: {  	s3 =	sld [smem:$0x3FFE];
	_ =	sdelay $0x1  }
0x2: {  	s1 =	srdreg.scid  }
0x3: {  	s0 =	sand.u32 $0x1, s1  }
0x4: {  	s18 =	sshll.u32 s0, $0xA;
	s2 =	sadd.s32 s3, s2  }
0x5: {  	s2 =	sadd.s32 s2, s18  }
0x6: {  	[smem:$0x3FB8] =	sst s2  }
0x7: {  	_ = 	snop  }
0x8: {  	s2 =	sld [smem:$0x3FD0];
	(tm) =	ssettm $0x1  }
0x9: {  	s19 =	sld [smem:$0x3FFB];
	_ =	sdelay $0x3  }
0xa: {  	_ =	strace s19  }
0xb: {  	s3 =	sld [smem:$0x3FFC];
	_ =	sdelay $0x3  }
0xc: {  	_ =	strace s3  }
0xd: {  	s3 =	sld [smem:$0x3FFD];
	_ =	sdelay $0x3  }
0xe: {  	_ =	strace s3  }
0xf: {  	_ =	strace $0x8FFFFFFF  }
0x10: {  	s20 =	sld [smem:$0x3FDB];
	_ =	sdelay $0x1  }
0x11: {  	s4 =	simm.s32 $_scs_section_size  }
0x12: {  	s5 =	simm.s32 $_size__tile_overlayer_lowered;
	s6 =	simm.s32 $_tile_overlayer_lowered  }
0x13: {  	s23 =	simm.s32 $0x1BFF;
	s22 =	sshll.u32 s6, $0x1;
	s3 =	sadd.s32 s4, s20  }
0x14: {  	s7 =	simm.s32 $0x0;
	s21 =	sshll.u32 s5, $0x1;
	s5 =	sadd.s32 s22, s3  }
0x15: {  	[timem:s7], [sflag:s23] =	dma.local [hbm:s5], s21  }
0x16: {  	_ =	swait.ge [sflag:s23], s21  }
0x17: {  	s4 =	ssub.s32 $0x0, s21;
	[sflag:s23] =	ssyncset.done $0x0  }
0x18: {  	[sflag:s23] =	ssyncadd.s32 s4;
	_ =	sdelay $0x1  }
0x19: {  	s24 =	simm.s32 $0x1B8B  }
0x1a: {  	_ =	swait.ge [sflag:s24], $0x1  }
0x1b: {  	[sflag:s24] =	ssyncset.done $0x0  }
0x1c: {  	s26 =	simm.s32 $0x1B8E;
	s25 =	sld [smem:$0x3FFE];
	[sflag:s24] =	ssyncadd.s32 $0xFFFFFFFF  }
0x1d: {  	s27 =	simm.s32 $execute0_lowered;
	[smem:$0x3FD2] =	sst s26  }
0x1e: {  	s5 =	sshll.u32 s27, $0x1;
	_ =	strace $0x8000004F;
	[dreg:$0x1] =	wrdreg $0xFFFFFFFF  }
0x1f: {  	s28 =	simm.s32 $_size_execute0_lowered;
	s3 =	sadd.s32 s3, s5;
	[dreg:$0x0] =	wrdreg $0x0  }
0x20: {  	s5 =	sshll.u32 s28, $0x1;
	[dreg:$0x2] =	wrdreg s3  }
0x21: {  	[dreg:$0x3] =	wrdreg s5  }
0x22: {  	[dreg:$0x4] =	wrdreg $0xC0  }
0x23: {  	_ =	task [dreg:s7], $0x5FFFF  }
0x24: {  	[dreg:$0x1] =	wrdreg $0xFFFFFFFF  }
0x25: {  	[dreg:$0x0] =	wrdreg $0x60  }
0x26: {  	[dreg:$0x2] =	wrdreg s25  }
0x27: {  	[dreg:$0x3] =	wrdreg s2  }
0x28: {  	[dreg:$0x4] =	wrdreg $0x9  }
0x29: {  	_ =	task.clear_ibuf [dreg:s7], $0x5FFFF;
	_ =	strace $0x9000004F  }
0x2a: {  	s29 =	simm.s32 $0x9;
	_ =	strace $0x80000051  }
0x2b: {  	_ =	swait.ge [sflag:s29], $0x1  }
0x2c: {  	[sflag:s29] =	ssyncadd.s32 $0xFFFFFFFF  }
0x2d: {  	_ =	strace $0x90000051  }
0x2e: {  	_ =	sfence  }
0x2f: {  	s30 =	sld [smem:$0x0];
	_ =	sdelay $0x2  }
0x30: {  	s31 =	sshll.u32 s1, $0xD;
	s1 =	sshrl.u32 s1, $0x2  }
0x31: {  	s3 =	sand.u32 $0x4000, s31;
	s1 =	sadd.s32 s1, s30  }
0x32: {  	s0 =	sor.u32 s3, s0;
	s1 =	sshll.u32 s1, $0x11  }
0x33: {  	s0 =	sor.u32 s1, s0  }
0x34: {  	s0 =	sadd.s32 $0x8F2B, s0  }
0x35: {  	[sflag:s0] =	ssyncadd.remote.s32 $0x1  }
0x36: {  	_ =	sfence.sel $0xFFFF  }
0x37: {  	[dreg:$0x0] =	wrdreg $0xFFFFFFFF;
	(pc) =	sbr.abs _section_cstart, $3  }
0x38: {  	[dreg:$0x1] =	wrdreg $0xFFFFFFFF  }
0x39: {  	_ =	task.clear_ibuf [dreg:s7], $0x2FFFF;
	_ =	strace $0x9FFFFFFF  }
0x3a: {  	(tm) =	ssettm $0x7FFFFFFF  }
0x3b: {  	_ =	shalt  }
tec
execute0_lowered:
.L_overlay_start_1:
0x0: {  	(tag) =	ssettag $0x1  }
0x1: {  	s4 =	rddreg [dreg:$0x0]  }
0x2: {  	s0 =	stileid.u32;
	s2 =	rddreg [dreg:$0x1]  }
0x3: {  	s7 =	srdreg.scid;
	s8 =	simm.s32 $0x2;
	s16 =	simm.s32 $0x0  }
0x4: {  	s9 =	simm.s32 $0x32000;
	s15 =	simm.s32 $0x0;
	s1 =	sshll.u32 s0, $0x7  }
0x5: {  	s10 =	simm.s32 $0x0;
	s11 =	simm.s32 $0x0;
	s3 =	sand.u32 $0x380, s1  }
0x6: {  	s14 =	simm.s32 $0x0;
	s7 =	sshll.u32 s7, $0x4;
	s5 =	ssub.s32 $0x400, s3  }
0x7: {  	s4 =	sadd.s32 $0xA46800, s4;
	s1 =	rddreg [dreg:$0x2];
	s6 =	sand.u32 $0x380, s5  }
0x8: {  	s7 =	sand.u32 $0x10, s7;
	p0 =	sne.s32 s6, $0x0;
	s6 =	simm.s32 $0x1  }
.Ltmp0:
0x9: {  	s5 =	sshrl.u32 s5, $0xA;
	s6 =	simm.s32 @!p0 $0x0;
	(pc) =	sbr.rel .LBB1_1-.Ltmp0, $4  }
0xa: {  	_ =	strace $0x80000050;
	s7 =	sor.u32 s0, s7;
	s6 =	sadd.s32 s6, s5  }
0xb: {  	s7 =	sshrl.u32 s7, $0x3;
	s5 =	simm.s32 $0x1;
	s6 =	smul.u32 $0x32, s6  }
0xc: {  	s13 =	smov.u32 s3;
	s12 =	smov.u32 s7;
	[sflag:s5] =	ssyncpa.u1 $0x0  }
0xd: {  	p0 =	por $0x0, $0x0;
	[sflag:s8] =	ssyncpa.u1 $0x0;
	s8 =	sor.u32 $0x1, s6  }
.LBB1_4:
0xe: {  	s21 =	sshra.s32 s21, $0x2;
	s27 =	sshll.u32 s10, $0xA;
	s22 =	sshll.u32 s11, $0x3  }
0xf: {  	s23 =	sshll.u32 s10, $0x7;
	s24 =	sand.u32 $0x78, s11;
	p1 =	sgt.s32 s10, $0xC7  }
0x10: {  	s25 =	sshra.s32 s10, $0x1F;
	s26 =	sshra.s32 s11, $0x1F;
	s20 =	sadd.s32 s21, s20  }
0x11: {  	v5 =	vld [tilespmem:s18+$0xFFFFFFD0];
	[tilespmem:s19+$0x2040 ss:$0x81] =	vst.msk $0xffff, v4;
	s21 =	sand.u32 $0xFFFFE000, s27;
	s22 =	sand.u32 $0xFFFFFC00, s22;
	s28 =	sand.u32 $0x380, s23  }
0x12: {  	v58 =	vld [tilespmem:s18+$0xFFFFFFE0];
	[tilespmem:s19+$0x2850 ss:$0x81] =	vst.msk $0xffff, v3;
	s23 =	smov.u32 s10;
	s30 =	sand.u32 s25, s10;
	s25 =	smov.u32 s11  }
0x13: {  	v59 =	vld [tilespmem:s18+$0xFFFFFFF0];
	[tilespmem:s19+$0x3060 ss:$0x81] =	vst.msk $0xffff, v2;
	s31 =	sand.u32 s26, s11;
	s21 =	sadd.s32 s22, s21;
	s22 =	sor.u32 s24, s28  }
0x14: {  	v60 =	vld [tilespmem:s18+$0x0];
	[tilespmem:s19+$0x0 ss:$0x81] =	vst.msk $0xffff, v1;
	s23 =	simm.s32 @!p1 $0xC7;
	p1 =	sgt.s32 s11, $0x380;
	s21 =	sshrl.u32 s21, $0xA  }
0x15: {  	v61 =	vld [tilespmem:s18+$0x10];
	[tilespmem:s20+$0x3870 ss:$0x81] =	vst.msk $0xffff, v0;
	s19 =	ssub.s32 s23, s30;
	s25 =	simm.s32 @!p1 $0x380;
	s29 =	smulhi.u32 $0x147AE15, s21  }
0x16: {  	v62 =	vld [tilespmem:s18+$0x20];
	s23 =	ssub.s32 s25, s31;
	s26 =	ssub.s32 $0xC8, s19;
	s27 =	sadd.s32 $0xFFFFFF39, s19;
	[tilespmem:s20+$0x810 ss:$0x81] =	vst.msk $0xffff, v5  }
0x17: {  	v63 =	vld [tilespmem:s18+$0xFFFFFFC0];
	[tilespmem:s20+$0x1020 ss:$0x81] =	vst.msk $0xffff, v58;
	s19 =	smul.u32 $0x64, s26;
	s28 =	sadd.s32 $0xFFFFFC80, s23;
	p1 =	sgt.s32 s27, $0x0  }
0x18: {  	[tilespmem:s20+$0x1830 ss:$0x81] =	vst.msk $0xffff, v59;
	s18 =	ssub.s32 $0x400, s23;
	s24 =	smul.u32 $0xC8, s29;
	p2 =	sgt.s32 s28, $0x7F  }
0x19: {  	s30 =	sand.u32 $0x7, s11;
	[tilespmem:s20+$0x2040 ss:$0x81] =	vst.msk $0xffff, v60;
	s19 =	simm.s32 @p1 $0x0;
	s18 =	simm.s32 @p2 $0x0  }
0x1a: {  	[tilespmem:s20+$0x2850 ss:$0x81] =	vst.msk $0xffff, v61;
	s29 =	sshrl.u32 s22, $0x3;
	s21 =	ssub.s32 s21, s24;
	s18 =	smul.u32 s18, s19  }
0x1b: {  	[tilespmem:s20+$0x3060 ss:$0x81] =	vst.msk $0xffff, v62;
	s22 =	sshll.u32 s30, $0x12;
	s19 =	sadd.s32 s2, s29;
	s21 =	sshll.u32 s21, $0x7  }
0x1c: {  	[tilespmem:s20+$0x0 ss:$0x81] =	vst.msk $0xffff, v63;
	s31 =	sor.u32 $0x80, s22;
	s18 =	sand.u32 $0x3FFFFFFC, s18;
	s19 =	sadd.s32 s21, s19  }
0x1d: {  	[hbm4b:s19+s31] =	stream.strided.scatter [tilespmem:s17], [sflag:$0x2], s18, s9, s31, $0x20;
	[tilespmem:$0x10100] =	vst v63  }
.LBB1_5:
0x1e: {  	p1 =	slt.u32 s14, $0x2  }
0x1f: {  	s18 =	smov.u32 s16;
	p2 =	sgt.s32 @!p1 s16, $0xC7;
	s17 =	sshra.s32 @!p1 s16, $0x1F  }
0x20: {  	p3 =	sgt.s32 @!p1 s15, $0x380;
	s19 =	sshra.s32 @!p1 s15, $0x1F;
	p2 =	por !p2, p1  }
0x21: {  	s16 =	sand.u32 @!p1 s17, s16;
	p3 =	por !p3, p1;
	s17 =	smov.u32 s15  }
0x22: {  	s15 =	sand.u32 @!p1 s19, s15;
	s18 =	simm.s32 @p2 $0xC7;
	s17 =	simm.s32 @p3 $0x380  }
0x23: {  	s19 =	smov.u32 s13;
	s16 =	ssub.s32 @!p1 s18, s16;
	s15 =	ssub.s32 @!p1 s17, s15  }
0x24: {  	s17 =	sadd.s32 @!p1 $0xFFFFFF39, s16;
	s16 =	ssub.s32 @!p1 $0xC8, s16;
	s18 =	sadd.s32 @!p1 $0xFFFFFC80, s15  }
0x25: {  	p2 =	sgt.s32 @!p1 s17, $0x0;
	s16 =	smul.u32 @!p1 $0x64, s16;
	p3 =	sgt.s32 @!p1 s18, $0x7F  }
0x26: {  	s15 =	ssub.s32 @!p1 $0x400, s15;
	p2 =	por !p2, p1;
	p3 =	por !p3, p1  }
0x27: {  	s17 =	sadd.s32 $0x4, s12;
	s16 =	simm.s32 @!p2 $0x0;
	s15 =	simm.s32 @!p3 $0x0  }
0x28: {  	p2 =	sgt.s32 s17, $0xC7;
	s15 =	smul.u32 @!p1 s15, s16;
	s16 =	sadd.s32 $0x400, s13  }
0x29: {  	s19 =	smov.u32 @p2 s16  }
0x2a: {  	s17 =	smov.u32 @p2 s7;
	p2 =	sgt.s32 s19, $0x3FF  }
0x2b: {  	s19 =	smov.u32 @p2 s3;
	p2 =	sne.s32 s14, s8  }
.Ltmp1:
0x2c: {  	p0 =	por !p0, !p0;
	s18 =	simm.s32 @!p1 $0x2;
	(pc) =	sbr.rel @!p2 .LBB1_6-.Ltmp1, $4  }
0x2d: {  	s16 =	smov.u32 s10;
	s10 =	smov.u32 s12;
	s15 =	sand.u32 @!p1 $0x3FFFFFFC, s15  }
0x2e: {  	s12 =	smov.u32 s17;
	_ =	swait.ge @!p1 [sflag:s18], s15;
	s20 =	ssub.s32 @!p1 $0x0, s15  }
0x2f: {  	s15 =	smov.u32 s11;
	s14 =	sadd.s32 $0x1, s14;
	[sflag:s18] =	ssyncset.done @!p1 $0x0  }
0x30: {  	s11 =	smov.u32 s13;
	s13 =	smov.u32 s19;
	[sflag:s18] =	ssyncadd.s32 @!p1 s20  }
.LBB1_1:
0x31: {  	p1 =	sge.u32 s14, s6  }
0x32: {  	s17 =	sand.u32 @!p1 $0x1FFFFFF, s12  }
0x33: {  	s18 =	smulhi.u32 @!p1 $0x147AE15, s17;
	_ =	sdelay $0x1  }
0x34: {  	s18 =	smul.u32 @!p1 $0xC8, s18  }
0x35: {  	s19 =	sxor.u32 @!p1 $0xFFFFFFFF, s14;
	s20 =	smul.u32 @!p1 $0xC80, s13  }
0x36: {  	s31 =	sadd.s32 $0xFFFFFFFF, s14;
	s19 =	sshll.u32 @!p1 s19, $0xE;
	s17 =	ssub.s32 @!p1 s17, s18  }
0x37: {  	s18 =	sand.u32 @!p1 $0x4000, s19;
	s19 =	sadd.s32 @!p1 s4, s20;
	s17 =	sshll.u32 @!p1 s17, $0x4  }
0x38: {  	s20 =	simm.s32 @!p1 $0x6400;
	s17 =	sadd.s32 @!p1 s17, s19;
	s19 =	simm.s32 @!p1 $0x80  }
0x39: {  	[tilespmem:s18], [sflag:$0x1] =	stream.strided.gather @!p1 [hbm4b:s17+s19], $0x4000, s20, s19, $0x38;
	[tilespmem:$0x10100] =	vst v63  }
0x3a: {  	p1 =	sge.u32 s31, s6  }
.Ltmp2:
0x3b: {  	_ = 	snop;
	(pc) =	sbr.rel @p1 .LBB1_5-.Ltmp2, $1  }
0x3c: {  	_ =	sdelay $0x3  }
0x3d: {  	s17 =	simm.s32 $0x1  }
0x3e: {  	_ =	swait.ge [sflag:s5], $0x4000;
	s17 =	simm.s32 @!p0 $0x0  }
0x3f: {  	[sflag:s5] =	ssyncset.done $0x0;
	s18 =	sshll.u32 s17, $0xE  }
0x40: {  	[sflag:s5] =	ssyncadd.s32 $0xFFFFC000;
	s18 =	sor.u32 $0x40, s18  }
0x41: {  	s17 =	smul.u32 $0x10200, s17;
	v0 =	vld [tilespmem:s18+$0x30]  }
0x42: {  	v1 =	vld [tilespmem:s18+$0xFFFFFFD0]  }
0x43: {  	s17 =	sshrl.u32 s17, $0x2;
	v5 =	vld [tilespmem:s18+$0xFFFFFFE0]  }
0x44: {  	v6 =	vld [tilespmem:s18+$0xFFFFFFF0];
	s20 =	sor.u32 $0x8000, s17  }
0x45: {  	s31 =	sand.u32 $0x1, s14;
	v4 =	vld [tilespmem:s18+$0x0];
	s19 =	sadd.s32 $0x0, s20  }
0x46: {  	v3 =	vld [tilespmem:s18+$0x10];
	s17 =	smul.u32 $0x10200, s31;
	[tilespmem:s19+$0x3870 ss:$0x81] =	vst.msk $0xffff, v0  }
0x47: {  	v2 =	vld [tilespmem:s18+$0x20];
	[tilespmem:s19+$0x810 ss:$0x81] =	vst.msk $0xffff, v1  }
0x48: {  	s17 =	sshrl.u32 s17, $0x2;
	v1 =	vld [tilespmem:s18+$0xFFFFFFC0];
	[tilespmem:s19+$0x1020 ss:$0x81] =	vst.msk $0xffff, v5;
	s18 =	sadd.s32 $0x80, s18  }
0x49: {  	s21 =	simm.s32 $0x4;
	s22 =	simm.s32 $0x8;
	s17 =	sor.u32 $0x8000, s17;
	[tilespmem:s19+$0x1830 ss:$0x81] =	vst.msk $0xffff, v6;
	v0 =	vld [tilespmem:s18+$0x30]  }
.LBB1_3:
0x4a: {  	p1 =	sne.s32 s22, $0x1FC;
	v5 =	vld [tilespmem:s18+$0xFFFFFFD0];
	[tilespmem:s19+$0x2040 ss:$0x81] =	vst.msk $0xffff, v4  }
0x4b: {  	v6 =	vld [tilespmem:s18+$0xFFFFFFE0];
	[tilespmem:s19+$0x2850 ss:$0x81] =	vst.msk $0xffff, v3  }
0x4c: {  	s23 =	sshra.s32 s21, $0x2;
	s21 =	smov.u32 s22;
	v7 =	vld [tilespmem:s18+$0xFFFFFFF0];
	[tilespmem:s19+$0x3060 ss:$0x81] =	vst.msk $0xffff, v2  }
.Ltmp3:
0x4d: {  	v4 =	vld [tilespmem:s18+$0x0];
	[tilespmem:s19+$0x0 ss:$0x81] =	vst.msk $0xffff, v1;
	s19 =	sadd.s32 s23, s20;
	(pc) =	sbr.rel @p1 .LBB1_3-.Ltmp3, $4  }
0x4e: {  	v3 =	vld [tilespmem:s18+$0x10];
	[tilespmem:s19+$0x3870 ss:$0x81] =	vst.msk $0xffff, v0  }
0x4f: {  	[tilespmem:s19+$0x810 ss:$0x81] =	vst.msk $0xffff, v5;
	v2 =	vld [tilespmem:s18+$0x20]  }
0x50: {  	v1 =	vld [tilespmem:s18+$0xFFFFFFC0];
	[tilespmem:s19+$0x1020 ss:$0x81] =	vst.msk $0xffff, v6;
	s18 =	sadd.s32 $0x80, s18  }
0x51: {  	s22 =	sadd.s32 $0x4, s22;
	v0 =	vld [tilespmem:s18+$0x30];
	[tilespmem:s19+$0x1830 ss:$0x81] =	vst.msk $0xffff, v7  }
.Ltmp4:
0x52: {  	_ = 	snop;
	(pc) =	sbr.rel .LBB1_4-.Ltmp4, $1  }
0x53: {  	_ =	sdelay $0x3  }
.LBB1_6:
0x54: {  	_ =	sfence.sel $0x180000  }
0x55: {  	s2 =	simm.s32 $0x1;
	[bflag:$0x0] =	sbarrier.arrive $0xFFFF  }
0x56: {  	s31 =	simm.s32 $0x2;
	[sflag:s2] =	ssyncpa.u1 $0x1  }
0x57: {  	[sflag:s31] =	ssyncpa.u1 $0x1  }
0x58: {  	p0 =	sne.s32 s0, $0x0;
	_ =	strace $0x90000050  }
0x59: {  	s0 =	sadd.s32 @!p0 $0x100000, s1;
	[bflag:$0x2] =	sbarrier.arrive $0xFFFF  }
0x5a: {  	[sflag:s0] =	ssyncadd.tile.s32 @!p0 $0x1;
	_ =	shalt  }
.Lfunc_end1:
_tile_overlayer_lowered:
.L_overlay_start_2:
0x5b: {  	(tag) =	ssettag $0x2  }
0x5c: {  	s0 =	rddreg [dreg:$0x0];
	s2 =	stileid.u32  }
0x5d: {  	s1 =	rddreg [dreg:$0x1];
	p0 =	sne.s32 s2, $0x0  }
0x5e: {  	s3 =	rddreg [dreg:$0x2];
	[bflag:$0x3] =	sbarrier.arrive $0xFFFF;
	s2 =	simm.s32 @!p0 $0x1C01  }
0x5f: {  	[timem:s3], [sflag:s2] =	dma.local @!p0 [hbm:s0], s1  }
0x60: {  	s0 =	simm.s32 @!p0 $0x1  }
0x61: {  	_ =	swait.ge @!p0 [sflag:s0], s1  }
0x62: {  	s1 =	ssub.s32 @!p0 $0x0, s1;
	[sflag:s0] =	ssyncset.done @!p0 $0x0  }
0x63: {  	[sflag:s0] =	ssyncadd.s32 @!p0 s1  }
0x64: {  	[bflag:$0x3] =	sbarrier.arrive $0xFFFF  }
0x65: {  	_ =	shalt  }

</sc_bundles>
